<compile_context>
chip_gen: v7x
topology: tpu7x:2x2x1
jax: 0.10.2.dev20260603
libtpu: 0.0.44.dev20260713+nightly
codegen_flags: <defaults>
</compile_context>

<pallas_src>
import jax
import jax.numpy as jnp
from jax import lax
from jax.experimental import pallas as pl
from jax.experimental.pallas import tpu as pltpu
from jax.experimental.pallas import tpu_sc as plsc

NUM_EMB = 1000000
DIM = 64
RANK = 16
TOTAL = 4096 * 50
NC, NS, LANES = 2, 16, 16
NW = NC * NS
PER_W = TOTAL // NW
CHUNK = 640
NCHUNK = PER_W // CHUNK
SUB = 128
NSUB = CHUNK // SUB


def _sc_kernel(idx_hbm, emb_hbm, a_hbm, bt_hbm, out_hbm,
               idx_v, buf_v, a_v, bt_v, sem):
    wid = lax.axis_index("c") * NS + lax.axis_index("s")

    pltpu.sync_copy(bt_hbm, bt_v)
    btv = [bt_v[pl.ds(k * LANES, LANES)] for k in range(DIM * RANK // LANES)]

    def chunk_body(k, _):
        row0 = wid * PER_W + k * CHUNK
        pltpu.sync_copy(idx_hbm.at[wid * NCHUNK + k], idx_v)
        copies = []
        for j in range(NSUB):
            copies.append(pltpu.async_copy(
                emb_hbm.at[idx_v.at[j]], buf_v.at[pl.ds(j * SUB, SUB)], sem))
            copies.append(pltpu.async_copy(
                a_hbm.at[idx_v.at[j]], a_v.at[pl.ds(j * SUB, SUB)], sem))
        for c in copies:
            c.wait()

        @plsc.parallel_loop(0, CHUNK, unroll=2)
        def lookup_body(i):
            a_row = a_v[i]
            a_s = [a_row[r] for r in range(RANK)]
            for c in range(DIM // LANES):
                acc = buf_v[i, pl.ds(c * LANES, LANES)]
                for r in range(RANK):
                    acc = acc + a_s[r] * btv[r * (DIM // LANES) + c]
                buf_v[i, pl.ds(c * LANES, LANES)] = acc
        pltpu.sync_copy(buf_v, out_hbm.at[pl.ds(row0, CHUNK)])
        return 0

    lax.fori_loop(0, NCHUNK, chunk_body, 0)


def kernel(idx, embedding_weight, lora_A_weight, lora_B_weight):
    B, L = idx.shape
    idx3d = idx.reshape(NW * NCHUNK, NSUB, SUB).astype(jnp.int32)
    bt_flat = lora_B_weight.T.reshape(-1)

    mesh = plsc.VectorSubcoreMesh(core_axis_name="c", subcore_axis_name="s",
                                  num_cores=NC, num_subcores=NS)
    out = pl.kernel(
        _sc_kernel,
        out_type=jax.ShapeDtypeStruct((TOTAL, DIM), jnp.float32),
        mesh=mesh,
        compiler_params=pltpu.CompilerParams(use_tc_tiling_on_sc=False),
        scratch_types=[
            pltpu.VMEM((NSUB, SUB), jnp.int32),
            pltpu.VMEM((CHUNK, DIM), jnp.float32),
            pltpu.VMEM((CHUNK, RANK), jnp.float32),
            pltpu.VMEM((DIM * RANK,), jnp.float32),
            pltpu.SemaphoreType.DMA,
        ],
    )(idx3d, embedding_weight, lora_A_weight, bt_flat)
    return out.reshape(B, L, DIM)

# --- scband reference (transcript-rebuilt; emitter-appended) ---
"""Pipeline reference for scband-lo-raembedding-56229711839884 (READ-ONLY COPY).

The authoritative reference and input builder live on the scoring server;
editing this copy changes nothing except your own understanding.
"""

import jax, jax.numpy as jnp
import numpy as np

NUM_EMBEDDINGS = 1000000
EMBED_DIM = 64
R = 16
BATCH = 4096
HIST = 50

def setup_inputs(seed: int = 0) -> dict:
    key = jax.random.key(seed)
    k1, k2, k3, k4 = jax.random.split(key, 4)
    idx = jax.random.randint(k1, (BATCH, HIST), 0, NUM_EMBEDDINGS, dtype=jnp.int64 if jax.config.read('jax_enable_x64') else jnp.int32)
    embedding_weight = jax.random.normal(k2, (NUM_EMBEDDINGS, EMBED_DIM), dtype=jnp.float32)
    # module inits lora_A to zeros; use small random values to avoid a degenerate all-zero path
    lora_A_weight = jax.random.normal(k3, (NUM_EMBEDDINGS, R), dtype=jnp.float32) * 0.01
    lora_B_weight = jax.random.normal(k4, (EMBED_DIM, R), dtype=jnp.float32) * 0.02  # nn.Linear(r, dim) weight shape: [dim, r]
    return {"idx": idx, "embedding_weight": embedding_weight, "lora_A_weight": lora_A_weight, "lora_B_weight": lora_B_weight}

def reference(idx, embedding_weight, lora_A_weight, lora_B_weight):
    # base embedding lookup
    base = jnp.take(embedding_weight, idx, axis=0)          # [B, L, dim]
    # LoRA path: low-rank embedding lookup followed by linear up-projection
    a = jnp.take(lora_A_weight, idx, axis=0)                # [B, L, r]
    lora = a @ lora_B_weight.T                              # [B, L, dim]
    return base + lora

if __name__ == "__main__":
    import jax
    _d = setup_inputs()
    print(jax.jit(kernel)(*tuple(_d.values())))

</pallas_src>

<mosaic_0001>
#map = affine_map<(d0, d1) -> (0, 0, 0)>
#map1 = affine_map<(d0, d1) -> (0, 0)>
#map2 = affine_map<(d0, d1) -> (0)>
module attributes {stable_mosaic.version = 14 : i64} {
  func.func @_sc_kernel(%arg0: i32, %arg1: i32, %arg2: memref<320x5x128xi32, #tpu.memory_space<hbm>>, %arg3: memref<1000000x64xf32, #tpu.memory_space<hbm>>, %arg4: memref<1000000x16xf32, #tpu.memory_space<hbm>>, %arg5: memref<1024xf32, #tpu.memory_space<hbm>>, %arg6: memref<204800x64xf32, #tpu.memory_space<hbm>>, %arg7: memref<5x128xi32, #tpu.memory_space<vmem>>, %arg8: memref<640x64xf32, #tpu.memory_space<vmem>>, %arg9: memref<640x16xf32, #tpu.memory_space<vmem>>, %arg10: memref<1024xf32, #tpu.memory_space<vmem>>, %arg11: memref<!tpu.dma_semaphore, #tpu.memory_space<semaphore_mem>>) attributes {dimension_semantics = [#tpu.dimension_semantics<core_parallel>, #tpu.dimension_semantics<subcore_parallel>], iteration_bounds = array<i64: 2, 16>, scalar_prefetch = 0 : i64, scratch_operands = 5 : i64, tpu.core_type = #tpu.core_type<sc_vector_subcore>, window_params = [{transform_indices = #map}, {transform_indices = #map1}, {transform_indices = #map1}, {transform_indices = #map2}, {transform_indices = #map1}]} {
    %mul3A = arith.constant 16 : i32
    %mul3A_0 = arith.muli %arg0, %mul3A : i32
    %add3A = arith.addi %mul3A_0, %arg1 : i32
    "tpu.region"() ({
      %run_scoped3A = tpu.sem_alloc : memref<!tpu.dma_semaphore, #tpu.memory_space<semaphore_mem>>
      tpu.enqueue_dma source(%arg5 : memref<1024xf32, #tpu.memory_space<hbm>>) target(%arg10 : memref<1024xf32, #tpu.memory_space<vmem>>) target_semaphore(%run_scoped3A : memref<!tpu.dma_semaphore, #tpu.memory_space<semaphore_mem>>)
      tpu.wait_dma2 semaphore(%run_scoped3A : memref<!tpu.dma_semaphore, #tpu.memory_space<semaphore_mem>>) src(%arg5 : memref<1024xf32, #tpu.memory_space<hbm>>) dst(%arg10 : memref<1024xf32, #tpu.memory_space<vmem>>)
      tpu.yield
    }) : () -> ()
    %get3A = arith.constant 0 : index
    %get3A_1 = tpu.vector_load %arg10[%get3A] {strides = array<i32>} : memref<1024xf32, #tpu.memory_space<vmem>>, vector<16xf32>,
    %get3A_2 = vector.shape_cast %get3A_1 : vector<16xf32> to vector<16xf32>
    %get3A_3 = arith.constant 16 : index
    %get3A_4 = tpu.vector_load %arg10[%get3A_3] {strides = array<i32>} : memref<1024xf32, #tpu.memory_space<vmem>>, vector<16xf32>,
    %get3A_5 = vector.shape_cast %get3A_4 : vector<16xf32> to vector<16xf32>
    %get3A_6 = arith.constant 32 : index
    %get3A_7 = tpu.vector_load %arg10[%get3A_6] {strides = array<i32>} : memref<1024xf32, #tpu.memory_space<vmem>>, vector<16xf32>,
    %get3A_8 = vector.shape_cast %get3A_7 : vector<16xf32> to vector<16xf32>
    %get3A_9 = arith.constant 48 : index
    %get3A_10 = tpu.vector_load %arg10[%get3A_9] {strides = array<i32>} : memref<1024xf32, #tpu.memory_space<vmem>>, vector<16xf32>,
    %get3A_11 = vector.shape_cast %get3A_10 : vector<16xf32> to vector<16xf32>
    %get3A_12 = arith.constant 64 : index
    %get3A_13 = tpu.vector_load %arg10[%get3A_12] {strides = array<i32>} : memref<1024xf32, #tpu.memory_space<vmem>>, vector<16xf32>,
    %get3A_14 = vector.shape_cast %get3A_13 : vector<16xf32> to vector<16xf32>
    %get3A_15 = arith.constant 80 : index
    %get3A_16 = tpu.vector_load %arg10[%get3A_15] {strides = array<i32>} : memref<1024xf32, #tpu.memory_space<vmem>>, vector<16xf32>,
    %get3A_17 = vector.shape_cast %get3A_16 : vector<16xf32> to vector<16xf32>
    %get3A_18 = arith.constant 96 : index
    %get3A_19 = tpu.vector_load %arg10[%get3A_18] {strides = array<i32>} : memref<1024xf32, #tpu.memory_space<vmem>>, vector<16xf32>,
    %get3A_20 = vector.shape_cast %get3A_19 : vector<16xf32> to vector<16xf32>
    %get3A_21 = arith.constant 112 : index
    %get3A_22 = tpu.vector_load %arg10[%get3A_21] {strides = array<i32>} : memref<1024xf32, #tpu.memory_space<vmem>>, vector<16xf32>,
    %get3A_23 = vector.shape_cast %get3A_22 : vector<16xf32> to vector<16xf32>
    %get3A_24 = arith.constant 128 : index
    %get3A_25 = tpu.vector_load %arg10[%get3A_24] {strides = array<i32>} : memref<1024xf32, #tpu.memory_space<vmem>>, vector<16xf32>,
    %get3A_26 = vector.shape_cast %get3A_25 : vector<16xf32> to vector<16xf32>
    %get3A_27 = arith.constant 144 : index
    %get3A_28 = tpu.vector_load %arg10[%get3A_27] {strides = array<i32>} : memref<1024xf32, #tpu.memory_space<vmem>>, vector<16xf32>,
    %get3A_29 = vector.shape_cast %get3A_28 : vector<16xf32> to vector<16xf32>
    %get3A_30 = arith.constant 160 : index
    %get3A_31 = tpu.vector_load %arg10[%get3A_30] {strides = array<i32>} : memref<1024xf32, #tpu.memory_space<vmem>>, vector<16xf32>,
    %get3A_32 = vector.shape_cast %get3A_31 : vector<16xf32> to vector<16xf32>
    %get3A_33 = arith.constant 176 : index
    %get3A_34 = tpu.vector_load %arg10[%get3A_33] {strides = array<i32>} : memref<1024xf32, #tpu.memory_space<vmem>>, vector<16xf32>,
    %get3A_35 = vector.shape_cast %get3A_34 : vector<16xf32> to vector<16xf32>
    %get3A_36 = arith.constant 192 : index
    %get3A_37 = tpu.vector_load %arg10[%get3A_36] {strides = array<i32>} : memref<1024xf32, #tpu.memory_space<vmem>>, vector<16xf32>,
    %get3A_38 = vector.shape_cast %get3A_37 : vector<16xf32> to vector<16xf32>
    %get3A_39 = arith.constant 208 : index
    %get3A_40 = tpu.vector_load %arg10[%get3A_39] {strides = array<i32>} : memref<1024xf32, #tpu.memory_space<vmem>>, vector<16xf32>,
    %get3A_41 = vector.shape_cast %get3A_40 : vector<16xf32> to vector<16xf32>
    %get3A_42 = arith.constant 224 : index
    %get3A_43 = tpu.vector_load %arg10[%get3A_42] {strides = array<i32>} : memref<1024xf32, #tpu.memory_space<vmem>>, vector<16xf32>,
    %get3A_44 = vector.shape_cast %get3A_43 : vector<16xf32> to vector<16xf32>
    %get3A_45 = arith.constant 240 : index
    %get3A_46 = tpu.vector_load %arg10[%get3A_45] {strides = array<i32>} : memref<1024xf32, #tpu.memory_space<vmem>>, vector<16xf32>,
    %get3A_47 = vector.shape_cast %get3A_46 : vector<16xf32> to vector<16xf32>
    %get3A_48 = arith.constant 256 : index
    %get3A_49 = tpu.vector_load %arg10[%get3A_48] {strides = array<i32>} : memref<1024xf32, #tpu.memory_space<vmem>>, vector<16xf32>,
    %get3A_50 = vector.shape_cast %get3A_49 : vector<16xf32> to vector<16xf32>
    %get3A_51 = arith.constant 272 : index
    %get3A_52 = tpu.vector_load %arg10[%get3A_51] {strides = array<i32>} : memref<1024xf32, #tpu.memory_space<vmem>>, vector<16xf32>,
    %get3A_53 = vector.shape_cast %get3A_52 : vector<16xf32> to vector<16xf32>
    %get3A_54 = arith.constant 288 : index
    %get3A_55 = tpu.vector_load %arg10[%get3A_54] {strides = array<i32>} : memref<1024xf32, #tpu.memory_space<vmem>>, vector<16xf32>,
    %get3A_56 = vector.shape_cast %get3A_55 : vector<16xf32> to vector<16xf32>
    %get3A_57 = arith.constant 304 : index
    %get3A_58 = tpu.vector_load %arg10[%get3A_57] {strides = array<i32>} : memref<1024xf32, #tpu.memory_space<vmem>>, vector<16xf32>,
    %get3A_59 = vector.shape_cast %get3A_58 : vector<16xf32> to vector<16xf32>
    %get3A_60 = arith.constant 320 : index
    %get3A_61 = tpu.vector_load %arg10[%get3A_60] {strides = array<i32>} : memref<1024xf32, #tpu.memory_space<vmem>>, vector<16xf32>,
    %get3A_62 = vector.shape_cast %get3A_61 : vector<16xf32> to vector<16xf32>
    %get3A_63 = arith.constant 336 : index
    %get3A_64 = tpu.vector_load %arg10[%get3A_63] {strides = array<i32>} : memref<1024xf32, #tpu.memory_space<vmem>>, vector<16xf32>,
    %get3A_65 = vector.shape_cast %get3A_64 : vector<16xf32> to vector<16xf32>
    %get3A_66 = arith.constant 352 : index
    %get3A_67 = tpu.vector_load %arg10[%get3A_66] {strides = array<i32>} : memref<1024xf32, #tpu.memory_space<vmem>>, vector<16xf32>,
    %get3A_68 = vector.shape_cast %get3A_67 : vector<16xf32> to vector<16xf32>
    %get3A_69 = arith.constant 368 : index
    %get3A_70 = tpu.vector_load %arg10[%get3A_69] {strides = array<i32>} : memref<1024xf32, #tpu.memory_space<vmem>>, vector<16xf32>,
    %get3A_71 = vector.shape_cast %get3A_70 : vector<16xf32> to vector<16xf32>
    %get3A_72 = arith.constant 384 : index
    %get3A_73 = tpu.vector_load %arg10[%get3A_72] {strides = array<i32>} : memref<1024xf32, #tpu.memory_space<vmem>>, vector<16xf32>,
    %get3A_74 = vector.shape_cast %get3A_73 : vector<16xf32> to vector<16xf32>
    %get3A_75 = arith.constant 400 : index
    %get3A_76 = tpu.vector_load %arg10[%get3A_75] {strides = array<i32>} : memref<1024xf32, #tpu.memory_space<vmem>>, vector<16xf32>,
    %get3A_77 = vector.shape_cast %get3A_76 : vector<16xf32> to vector<16xf32>
    %get3A_78 = arith.constant 416 : index
    %get3A_79 = tpu.vector_load %arg10[%get3A_78] {strides = array<i32>} : memref<1024xf32, #tpu.memory_space<vmem>>, vector<16xf32>,
    %get3A_80 = vector.shape_cast %get3A_79 : vector<16xf32> to vector<16xf32>
    %get3A_81 = arith.constant 432 : index
    %get3A_82 = tpu.vector_load %arg10[%get3A_81] {strides = array<i32>} : memref<1024xf32, #tpu.memory_space<vmem>>, vector<16xf32>,
    %get3A_83 = vector.shape_cast %get3A_82 : vector<16xf32> to vector<16xf32>
    %get3A_84 = arith.constant 448 : index
    %get3A_85 = tpu.vector_load %arg10[%get3A_84] {strides = array<i32>} : memref<1024xf32, #tpu.memory_space<vmem>>, vector<16xf32>,
    %get3A_86 = vector.shape_cast %get3A_85 : vector<16xf32> to vector<16xf32>
    %get3A_87 = arith.constant 464 : index
    %get3A_88 = tpu.vector_load %arg10[%get3A_87] {strides = array<i32>} : memref<1024xf32, #tpu.memory_space<vmem>>, vector<16xf32>,
    %get3A_89 = vector.shape_cast %get3A_88 : vector<16xf32> to vector<16xf32>
    %get3A_90 = arith.constant 480 : index
    %get3A_91 = tpu.vector_load %arg10[%get3A_90] {strides = array<i32>} : memref<1024xf32, #tpu.memory_space<vmem>>, vector<16xf32>,
    %get3A_92 = vector.shape_cast %get3A_91 : vector<16xf32> to vector<16xf32>
    %get3A_93 = arith.constant 496 : index
    %get3A_94 = tpu.vector_load %arg10[%get3A_93] {strides = array<i32>} : memref<1024xf32, #tpu.memory_space<vmem>>, vector<16xf32>,
    %get3A_95 = vector.shape_cast %get3A_94 : vector<16xf32> to vector<16xf32>
    %get3A_96 = arith.constant 512 : index
    %get3A_97 = tpu.vector_load %arg10[%get3A_96] {strides = array<i32>} : memref<1024xf32, #tpu.memory_space<vmem>>, vector<16xf32>,
    %get3A_98 = vector.shape_cast %get3A_97 : vector<16xf32> to vector<16xf32>
    %get3A_99 = arith.constant 528 : index
    %get3A_100 = tpu.vector_load %arg10[%get3A_99] {strides = array<i32>} : memref<1024xf32, #tpu.memory_space<vmem>>, vector<16xf32>,
    %get3A_101 = vector.shape_cast %get3A_100 : vector<16xf32> to vector<16xf32>
    %get3A_102 = arith.constant 544 : index
    %get3A_103 = tpu.vector_load %arg10[%get3A_102] {strides = array<i32>} : memref<1024xf32, #tpu.memory_space<vmem>>, vector<16xf32>,
    %get3A_104 = vector.shape_cast %get3A_103 : vector<16xf32> to vector<16xf32>
    %get3A_105 = arith.constant 560 : index
    %get3A_106 = tpu.vector_load %arg10[%get3A_105] {strides = array<i32>} : memref<1024xf32, #tpu.memory_space<vmem>>, vector<16xf32>,
    %get3A_107 = vector.shape_cast %get3A_106 : vector<16xf32> to vector<16xf32>
    %get3A_108 = arith.constant 576 : index
    %get3A_109 = tpu.vector_load %arg10[%get3A_108] {strides = array<i32>} : memref<1024xf32, #tpu.memory_space<vmem>>, vector<16xf32>,
    %get3A_110 = vector.shape_cast %get3A_109 : vector<16xf32> to vector<16xf32>
    %get3A_111 = arith.constant 592 : index
    %get3A_112 = tpu.vector_load %arg10[%get3A_111] {strides = array<i32>} : memref<1024xf32, #tpu.memory_space<vmem>>, vector<16xf32>,
    %get3A_113 = vector.shape_cast %get3A_112 : vector<16xf32> to vector<16xf32>
    %get3A_114 = arith.constant 608 : index
    %get3A_115 = tpu.vector_load %arg10[%get3A_114] {strides = array<i32>} : memref<1024xf32, #tpu.memory_space<vmem>>, vector<16xf32>,
    %get3A_116 = vector.shape_cast %get3A_115 : vector<16xf32> to vector<16xf32>
    %get3A_117 = arith.constant 624 : index
    %get3A_118 = tpu.vector_load %arg10[%get3A_117] {strides = array<i32>} : memref<1024xf32, #tpu.memory_space<vmem>>, vector<16xf32>,
    %get3A_119 = vector.shape_cast %get3A_118 : vector<16xf32> to vector<16xf32>
    %get3A_120 = arith.constant 640 : index
    %get3A_121 = tpu.vector_load %arg10[%get3A_120] {strides = array<i32>} : memref<1024xf32, #tpu.memory_space<vmem>>, vector<16xf32>,
    %get3A_122 = vector.shape_cast %get3A_121 : vector<16xf32> to vector<16xf32>
    %get3A_123 = arith.constant 656 : index
    %get3A_124 = tpu.vector_load %arg10[%get3A_123] {strides = array<i32>} : memref<1024xf32, #tpu.memory_space<vmem>>, vector<16xf32>,
    %get3A_125 = vector.shape_cast %get3A_124 : vector<16xf32> to vector<16xf32>
    %get3A_126 = arith.constant 672 : index
    %get3A_127 = tpu.vector_load %arg10[%get3A_126] {strides = array<i32>} : memref<1024xf32, #tpu.memory_space<vmem>>, vector<16xf32>,
    %get3A_128 = vector.shape_cast %get3A_127 : vector<16xf32> to vector<16xf32>
    %get3A_129 = arith.constant 688 : index
    %get3A_130 = tpu.vector_load %arg10[%get3A_129] {strides = array<i32>} : memref<1024xf32, #tpu.memory_space<vmem>>, vector<16xf32>,
    %get3A_131 = vector.shape_cast %get3A_130 : vector<16xf32> to vector<16xf32>
    %get3A_132 = arith.constant 704 : index
    %get3A_133 = tpu.vector_load %arg10[%get3A_132] {strides = array<i32>} : memref<1024xf32, #tpu.memory_space<vmem>>, vector<16xf32>,
    %get3A_134 = vector.shape_cast %get3A_133 : vector<16xf32> to vector<16xf32>
    %get3A_135 = arith.constant 720 : index
    %get3A_136 = tpu.vector_load %arg10[%get3A_135] {strides = array<i32>} : memref<1024xf32, #tpu.memory_space<vmem>>, vector<16xf32>,
    %get3A_137 = vector.shape_cast %get3A_136 : vector<16xf32> to vector<16xf32>
    %get3A_138 = arith.constant 736 : index
    %get3A_139 = tpu.vector_load %arg10[%get3A_138] {strides = array<i32>} : memref<1024xf32, #tpu.memory_space<vmem>>, vector<16xf32>,
    %get3A_140 = vector.shape_cast %get3A_139 : vector<16xf32> to vector<16xf32>
    %get3A_141 = arith.constant 752 : index
    %get3A_142 = tpu.vector_load %arg10[%get3A_141] {strides = array<i32>} : memref<1024xf32, #tpu.memory_space<vmem>>, vector<16xf32>,
    %get3A_143 = vector.shape_cast %get3A_142 : vector<16xf32> to vector<16xf32>
    %get3A_144 = arith.constant 768 : index
    %get3A_145 = tpu.vector_load %arg10[%get3A_144] {strides = array<i32>} : memref<1024xf32, #tpu.memory_space<vmem>>, vector<16xf32>,
    %get3A_146 = vector.shape_cast %get3A_145 : vector<16xf32> to vector<16xf32>
    %get3A_147 = arith.constant 784 : index
    %get3A_148 = tpu.vector_load %arg10[%get3A_147] {strides = array<i32>} : memref<1024xf32, #tpu.memory_space<vmem>>, vector<16xf32>,
    %get3A_149 = vector.shape_cast %get3A_148 : vector<16xf32> to vector<16xf32>
    %get3A_150 = arith.constant 800 : index
    %get3A_151 = tpu.vector_load %arg10[%get3A_150] {strides = array<i32>} : memref<1024xf32, #tpu.memory_space<vmem>>, vector<16xf32>,
    %get3A_152 = vector.shape_cast %get3A_151 : vector<16xf32> to vector<16xf32>
    %get3A_153 = arith.constant 816 : index
    %get3A_154 = tpu.vector_load %arg10[%get3A_153] {strides = array<i32>} : memref<1024xf32, #tpu.memory_space<vmem>>, vector<16xf32>,
    %get3A_155 = vector.shape_cast %get3A_154 : vector<16xf32> to vector<16xf32>
    %get3A_156 = arith.constant 832 : index
    %get3A_157 = tpu.vector_load %arg10[%get3A_156] {strides = array<i32>} : memref<1024xf32, #tpu.memory_space<vmem>>, vector<16xf32>,
    %get3A_158 = vector.shape_cast %get3A_157 : vector<16xf32> to vector<16xf32>
    %get3A_159 = arith.constant 848 : index
    %get3A_160 = tpu.vector_load %arg10[%get3A_159] {strides = array<i32>} : memref<1024xf32, #tpu.memory_space<vmem>>, vector<16xf32>,
    %get3A_161 = vector.shape_cast %get3A_160 : vector<16xf32> to vector<16xf32>
    %get3A_162 = arith.constant 864 : index
    %get3A_163 = tpu.vector_load %arg10[%get3A_162] {strides = array<i32>} : memref<1024xf32, #tpu.memory_space<vmem>>, vector<16xf32>,
    %get3A_164 = vector.shape_cast %get3A_163 : vector<16xf32> to vector<16xf32>
    %get3A_165 = arith.constant 880 : index
    %get3A_166 = tpu.vector_load %arg10[%get3A_165] {strides = array<i32>} : memref<1024xf32, #tpu.memory_space<vmem>>, vector<16xf32>,
    %get3A_167 = vector.shape_cast %get3A_166 : vector<16xf32> to vector<16xf32>
    %get3A_168 = arith.constant 896 : index
    %get3A_169 = tpu.vector_load %arg10[%get3A_168] {strides = array<i32>} : memref<1024xf32, #tpu.memory_space<vmem>>, vector<16xf32>,
    %get3A_170 = vector.shape_cast %get3A_169 : vector<16xf32> to vector<16xf32>
    %get3A_171 = arith.constant 912 : index
    %get3A_172 = tpu.vector_load %arg10[%get3A_171] {strides = array<i32>} : memref<1024xf32, #tpu.memory_space<vmem>>, vector<16xf32>,
    %get3A_173 = vector.shape_cast %get3A_172 : vector<16xf32> to vector<16xf32>
    %get3A_174 = arith.constant 928 : index
    %get3A_175 = tpu.vector_load %arg10[%get3A_174] {strides = array<i32>} : memref<1024xf32, #tpu.memory_space<vmem>>, vector<16xf32>,
    %get3A_176 = vector.shape_cast %get3A_175 : vector<16xf32> to vector<16xf32>
    %get3A_177 = arith.constant 944 : index
    %get3A_178 = tpu.vector_load %arg10[%get3A_177] {strides = array<i32>} : memref<1024xf32, #tpu.memory_space<vmem>>, vector<16xf32>,
    %get3A_179 = vector.shape_cast %get3A_178 : vector<16xf32> to vector<16xf32>
    %get3A_180 = arith.constant 960 : index
    %get3A_181 = tpu.vector_load %arg10[%get3A_180] {strides = array<i32>} : memref<1024xf32, #tpu.memory_space<vmem>>, vector<16xf32>,
    %get3A_182 = vector.shape_cast %get3A_181 : vector<16xf32> to vector<16xf32>
    %get3A_183 = arith.constant 976 : index
    %get3A_184 = tpu.vector_load %arg10[%get3A_183] {strides = array<i32>} : memref<1024xf32, #tpu.memory_space<vmem>>, vector<16xf32>,
    %get3A_185 = vector.shape_cast %get3A_184 : vector<16xf32> to vector<16xf32>
    %get3A_186 = arith.constant 992 : index
    %get3A_187 = tpu.vector_load %arg10[%get3A_186] {strides = array<i32>} : memref<1024xf32, #tpu.memory_space<vmem>>, vector<16xf32>,
    %get3A_188 = vector.shape_cast %get3A_187 : vector<16xf32> to vector<16xf32>
    %get3A_189 = arith.constant 1008 : index
    %get3A_190 = tpu.vector_load %arg10[%get3A_189] {strides = array<i32>} : memref<1024xf32, #tpu.memory_space<vmem>>, vector<16xf32>,
    %get3A_191 = vector.shape_cast %get3A_190 : vector<16xf32> to vector<16xf32>
    %scan3A = arith.constant 0 : i32
    %scan3A_192 = arith.constant 0 : i32
    %scan3A_193 = arith.constant 10 : i32
    %scan3A_194 = arith.addi %scan3A_192, %scan3A_193 : i32
    %scan3A_195 = arith.constant 1 : i32
    %scan3A_196 = scf.for %scan3A_198 = %scan3A_192 to %scan3A_194 step %scan3A_195 iter_args(%scan3A_199 = %scan3A) -> (i32)  : i32 {
      %mul3A_200 = arith.constant 6400 : i32
      %mul3A_201 = arith.muli %add3A, %mul3A_200 : i32
      %mul3A_202 = arith.constant 640 : i32
      %mul3A_203 = arith.muli %scan3A_198, %mul3A_202 : i32
      %add3A_204 = arith.addi %mul3A_201, %mul3A_203 : i32
      %mul3A_205 = arith.constant 10 : i32
      %mul3A_206 = arith.muli %add3A, %mul3A_205 : i32
      %add3A_207 = arith.addi %mul3A_206, %scan3A_198 : i32
      "tpu.region"() ({
        %run_scoped3A = tpu.sem_alloc : memref<!tpu.dma_semaphore, #tpu.memory_space<semaphore_mem>>
        %dma_start3A_409 = arith.constant 0 : i32
        %dma_start3A_410 = arith.constant 0 : i32
        %dma_start3A_411 = tpu.memref_slice %arg2[%add3A_207, %dma_start3A_409, %dma_start3A_410] : memref<320x5x128xi32, #tpu.memory_space<hbm>> -> memref<1x5x128xi32, #tpu.memory_space<hbm>>
        %dma_start3A_412 = tpu.memref_squeeze %dma_start3A_411 : memref<1x5x128xi32, #tpu.memory_space<hbm>> -> memref<5x128xi32, #tpu.memory_space<hbm>>
        %dma_start3A_413 = arith.constant 0 : i32
        %dma_start3A_414 = arith.constant 0 : i32
        %dma_start3A_415 = tpu.memref_slice %arg2[%add3A_207, %dma_start3A_413, %dma_start3A_414] : memref<320x5x128xi32, #tpu.memory_space<hbm>> -> memref<1x5x128xi32, #tpu.memory_space<hbm>>
        %dma_start3A_416 = tpu.memref_squeeze %dma_start3A_415 : memref<1x5x128xi32, #tpu.memory_space<hbm>> -> memref<5x128xi32, #tpu.memory_space<hbm>>
        tpu.enqueue_dma source(%dma_start3A_416 : memref<5x128xi32, #tpu.memory_space<hbm>>) target(%arg7 : memref<5x128xi32, #tpu.memory_space<vmem>>) target_semaphore(%run_scoped3A : memref<!tpu.dma_semaphore, #tpu.memory_space<semaphore_mem>>)
        %dma_wait3A_417 = arith.constant 0 : i32
        %dma_wait3A_418 = arith.constant 0 : i32
        %dma_wait3A_419 = tpu.memref_slice %arg2[%add3A_207, %dma_wait3A_417, %dma_wait3A_418] : memref<320x5x128xi32, #tpu.memory_space<hbm>> -> memref<1x5x128xi32, #tpu.memory_space<hbm>>
        %dma_wait3A_420 = tpu.memref_squeeze %dma_wait3A_419 : memref<1x5x128xi32, #tpu.memory_space<hbm>> -> memref<5x128xi32, #tpu.memory_space<hbm>>
        %dma_wait3A_421 = arith.constant 0 : i32
        %dma_wait3A_422 = arith.constant 0 : i32
        %dma_wait3A_423 = tpu.memref_slice %arg2[%add3A_207, %dma_wait3A_421, %dma_wait3A_422] : memref<320x5x128xi32, #tpu.memory_space<hbm>> -> memref<1x5x128xi32, #tpu.memory_space<hbm>>
        %dma_wait3A_424 = tpu.memref_squeeze %dma_wait3A_423 : memref<1x5x128xi32, #tpu.memory_space<hbm>> -> memref<5x128xi32, #tpu.memory_space<hbm>>
        tpu.wait_dma2 semaphore(%run_scoped3A : memref<!tpu.dma_semaphore, #tpu.memory_space<semaphore_mem>>) src(%dma_wait3A_424 : memref<5x128xi32, #tpu.memory_space<hbm>>) dst(%arg7 : memref<5x128xi32, #tpu.memory_space<vmem>>)
        tpu.yield
      }) : () -> ()
      %dma_start3A = arith.constant 0 : i32
      %dma_start3A_208 = arith.constant 0 : i32
      %dma_start3A_209 = arith.constant 0 : i32
      %dma_start3A_210 = tpu.memref_slice %arg8[%dma_start3A_208, %dma_start3A_209] : memref<640x64xf32, #tpu.memory_space<vmem>> -> memref<128x64xf32, #tpu.memory_space<vmem>>
      %dma_start3A_211 = arith.constant 0 : i32
      %dma_start3A_212 = tpu.memref_slice %arg7[%dma_start3A, %dma_start3A_211] : memref<5x128xi32, #tpu.memory_space<vmem>> -> memref<1x128xi32, #tpu.memory_space<vmem>>
      %dma_start3A_213 = tpu.memref_squeeze %dma_start3A_212 : memref<1x128xi32, #tpu.memory_space<vmem>> -> memref<128xi32, #tpu.memory_space<vmem>>
      %dma_start3A_214 = arith.constant 0 : i32
      %dma_start3A_215 = arith.constant 0 : i32
      %dma_start3A_216 = tpu.memref_slice %arg3[%dma_start3A_214, %dma_start3A_215] : memref<1000000x64xf32, #tpu.memory_space<hbm>> -> memref<1000000x64xf32, #tpu.memory_space<hbm>>
      tpu.enqueue_indirect_dma source(%dma_start3A_216 : memref<1000000x64xf32, #tpu.memory_space<hbm>>) target(%dma_start3A_210 : memref<128x64xf32, #tpu.memory_space<vmem>>) offsets(%dma_start3A_213 : memref<128xi32, #tpu.memory_space<vmem>>) semaphore(%arg11 : memref<!tpu.dma_semaphore, #tpu.memory_space<semaphore_mem>>)
      %dma_start3A_217 = arith.constant 0 : i32
      %dma_start3A_218 = arith.constant 0 : i32
      %dma_start3A_219 = arith.constant 0 : i32
      %dma_start3A_220 = tpu.memref_slice %arg9[%dma_start3A_218, %dma_start3A_219] : memref<640x16xf32, #tpu.memory_space<vmem>> -> memref<128x16xf32, #tpu.memory_space<vmem>>
      %dma_start3A_221 = arith.constant 0 : i32
      %dma_start3A_222 = tpu.memref_slice %arg7[%dma_start3A_217, %dma_start3A_221] : memref<5x128xi32, #tpu.memory_space<vmem>> -> memref<1x128xi32, #tpu.memory_space<vmem>>
      %dma_start3A_223 = tpu.memref_squeeze %dma_start3A_222 : memref<1x128xi32, #tpu.memory_space<vmem>> -> memref<128xi32, #tpu.memory_space<vmem>>
      %dma_start3A_224 = arith.constant 0 : i32
      %dma_start3A_225 = arith.constant 0 : i32
      %dma_start3A_226 = tpu.memref_slice %arg4[%dma_start3A_224, %dma_start3A_225] : memref<1000000x16xf32, #tpu.memory_space<hbm>> -> memref<1000000x16xf32, #tpu.memory_space<hbm>>
      tpu.enqueue_indirect_dma source(%dma_start3A_226 : memref<1000000x16xf32, #tpu.memory_space<hbm>>) target(%dma_start3A_220 : memref<128x16xf32, #tpu.memory_space<vmem>>) offsets(%dma_start3A_223 : memref<128xi32, #tpu.memory_space<vmem>>) semaphore(%arg11 : memref<!tpu.dma_semaphore, #tpu.memory_space<semaphore_mem>>)
      %dma_start3A_227 = arith.constant 1 : i32
      %dma_start3A_228 = arith.constant 128 : i32
      %dma_start3A_229 = arith.constant 0 : i32
      %dma_start3A_230 = tpu.memref_slice %arg8[%dma_start3A_228, %dma_start3A_229] : memref<640x64xf32, #tpu.memory_space<vmem>> -> memref<128x64xf32, #tpu.memory_space<vmem>>
      %dma_start3A_231 = arith.constant 0 : i32
      %dma_start3A_232 = tpu.memref_slice %arg7[%dma_start3A_227, %dma_start3A_231] : memref<5x128xi32, #tpu.memory_space<vmem>> -> memref<1x128xi32, #tpu.memory_space<vmem>>
      %dma_start3A_233 = tpu.memref_squeeze %dma_start3A_232 : memref<1x128xi32, #tpu.memory_space<vmem>> -> memref<128xi32, #tpu.memory_space<vmem>>
      %dma_start3A_234 = arith.constant 0 : i32
      %dma_start3A_235 = arith.constant 0 : i32
      %dma_start3A_236 = tpu.memref_slice %arg3[%dma_start3A_234, %dma_start3A_235] : memref<1000000x64xf32, #tpu.memory_space<hbm>> -> memref<1000000x64xf32, #tpu.memory_space<hbm>>
      tpu.enqueue_indirect_dma source(%dma_start3A_236 : memref<1000000x64xf32, #tpu.memory_space<hbm>>) target(%dma_start3A_230 : memref<128x64xf32, #tpu.memory_space<vmem>>) offsets(%dma_start3A_233 : memref<128xi32, #tpu.memory_space<vmem>>) semaphore(%arg11 : memref<!tpu.dma_semaphore, #tpu.memory_space<semaphore_mem>>)
      %dma_start3A_237 = arith.constant 1 : i32
      %dma_start3A_238 = arith.constant 128 : i32
      %dma_start3A_239 = arith.constant 0 : i32
      %dma_start3A_240 = tpu.memref_slice %arg9[%dma_start3A_238, %dma_start3A_239] : memref<640x16xf32, #tpu.memory_space<vmem>> -> memref<128x16xf32, #tpu.memory_space<vmem>>
      %dma_start3A_241 = arith.constant 0 : i32
      %dma_start3A_242 = tpu.memref_slice %arg7[%dma_start3A_237, %dma_start3A_241] : memref<5x128xi32, #tpu.memory_space<vmem>> -> memref<1x128xi32, #tpu.memory_space<vmem>>
      %dma_start3A_243 = tpu.memref_squeeze %dma_start3A_242 : memref<1x128xi32, #tpu.memory_space<vmem>> -> memref<128xi32, #tpu.memory_space<vmem>>
      %dma_start3A_244 = arith.constant 0 : i32
      %dma_start3A_245 = arith.constant 0 : i32
      %dma_start3A_246 = tpu.memref_slice %arg4[%dma_start3A_244, %dma_start3A_245] : memref<1000000x16xf32, #tpu.memory_space<hbm>> -> memref<1000000x16xf32, #tpu.memory_space<hbm>>
      tpu.enqueue_indirect_dma source(%dma_start3A_246 : memref<1000000x16xf32, #tpu.memory_space<hbm>>) target(%dma_start3A_240 : memref<128x16xf32, #tpu.memory_space<vmem>>) offsets(%dma_start3A_243 : memref<128xi32, #tpu.memory_space<vmem>>) semaphore(%arg11 : memref<!tpu.dma_semaphore, #tpu.memory_space<semaphore_mem>>)
      %dma_start3A_247 = arith.constant 2 : i32
      %dma_start3A_248 = arith.constant 256 : i32
      %dma_start3A_249 = arith.constant 0 : i32
      %dma_start3A_250 = tpu.memref_slice %arg8[%dma_start3A_248, %dma_start3A_249] : memref<640x64xf32, #tpu.memory_space<vmem>> -> memref<128x64xf32, #tpu.memory_space<vmem>>
      %dma_start3A_251 = arith.constant 0 : i32
      %dma_start3A_252 = tpu.memref_slice %arg7[%dma_start3A_247, %dma_start3A_251] : memref<5x128xi32, #tpu.memory_space<vmem>> -> memref<1x128xi32, #tpu.memory_space<vmem>>
      %dma_start3A_253 = tpu.memref_squeeze %dma_start3A_252 : memref<1x128xi32, #tpu.memory_space<vmem>> -> memref<128xi32, #tpu.memory_space<vmem>>
      %dma_start3A_254 = arith.constant 0 : i32
      %dma_start3A_255 = arith.constant 0 : i32
      %dma_start3A_256 = tpu.memref_slice %arg3[%dma_start3A_254, %dma_start3A_255] : memref<1000000x64xf32, #tpu.memory_space<hbm>> -> memref<1000000x64xf32, #tpu.memory_space<hbm>>
      tpu.enqueue_indirect_dma source(%dma_start3A_256 : memref<1000000x64xf32, #tpu.memory_space<hbm>>) target(%dma_start3A_250 : memref<128x64xf32, #tpu.memory_space<vmem>>) offsets(%dma_start3A_253 : memref<128xi32, #tpu.memory_space<vmem>>) semaphore(%arg11 : memref<!tpu.dma_semaphore, #tpu.memory_space<semaphore_mem>>)
      %dma_start3A_257 = arith.constant 2 : i32
      %dma_start3A_258 = arith.constant 256 : i32
      %dma_start3A_259 = arith.constant 0 : i32
      %dma_start3A_260 = tpu.memref_slice %arg9[%dma_start3A_258, %dma_start3A_259] : memref<640x16xf32, #tpu.memory_space<vmem>> -> memref<128x16xf32, #tpu.memory_space<vmem>>
      %dma_start3A_261 = arith.constant 0 : i32
      %dma_start3A_262 = tpu.memref_slice %arg7[%dma_start3A_257, %dma_start3A_261] : memref<5x128xi32, #tpu.memory_space<vmem>> -> memref<1x128xi32, #tpu.memory_space<vmem>>
      %dma_start3A_263 = tpu.memref_squeeze %dma_start3A_262 : memref<1x128xi32, #tpu.memory_space<vmem>> -> memref<128xi32, #tpu.memory_space<vmem>>
      %dma_start3A_264 = arith.constant 0 : i32
      %dma_start3A_265 = arith.constant 0 : i32
      %dma_start3A_266 = tpu.memref_slice %arg4[%dma_start3A_264, %dma_start3A_265] : memref<1000000x16xf32, #tpu.memory_space<hbm>> -> memref<1000000x16xf32, #tpu.memory_space<hbm>>
      tpu.enqueue_indirect_dma source(%dma_start3A_266 : memref<1000000x16xf32, #tpu.memory_space<hbm>>) target(%dma_start3A_260 : memref<128x16xf32, #tpu.memory_space<vmem>>) offsets(%dma_start3A_263 : memref<128xi32, #tpu.memory_space<vmem>>) semaphore(%arg11 : memref<!tpu.dma_semaphore, #tpu.memory_space<semaphore_mem>>)
      %dma_start3A_267 = arith.constant 3 : i32
      %dma_start3A_268 = arith.constant 384 : i32
      %dma_start3A_269 = arith.constant 0 : i32
      %dma_start3A_270 = tpu.memref_slice %arg8[%dma_start3A_268, %dma_start3A_269] : memref<640x64xf32, #tpu.memory_space<vmem>> -> memref<128x64xf32, #tpu.memory_space<vmem>>
      %dma_start3A_271 = arith.constant 0 : i32
      %dma_start3A_272 = tpu.memref_slice %arg7[%dma_start3A_267, %dma_start3A_271] : memref<5x128xi32, #tpu.memory_space<vmem>> -> memref<1x128xi32, #tpu.memory_space<vmem>>
      %dma_start3A_273 = tpu.memref_squeeze %dma_start3A_272 : memref<1x128xi32, #tpu.memory_space<vmem>> -> memref<128xi32, #tpu.memory_space<vmem>>
      %dma_start3A_274 = arith.constant 0 : i32
      %dma_start3A_275 = arith.constant 0 : i32
      %dma_start3A_276 = tpu.memref_slice %arg3[%dma_start3A_274, %dma_start3A_275] : memref<1000000x64xf32, #tpu.memory_space<hbm>> -> memref<1000000x64xf32, #tpu.memory_space<hbm>>
      tpu.enqueue_indirect_dma source(%dma_start3A_276 : memref<1000000x64xf32, #tpu.memory_space<hbm>>) target(%dma_start3A_270 : memref<128x64xf32, #tpu.memory_space<vmem>>) offsets(%dma_start3A_273 : memref<128xi32, #tpu.memory_space<vmem>>) semaphore(%arg11 : memref<!tpu.dma_semaphore, #tpu.memory_space<semaphore_mem>>)
      %dma_start3A_277 = arith.constant 3 : i32
      %dma_start3A_278 = arith.constant 384 : i32
      %dma_start3A_279 = arith.constant 0 : i32
      %dma_start3A_280 = tpu.memref_slice %arg9[%dma_start3A_278, %dma_start3A_279] : memref<640x16xf32, #tpu.memory_space<vmem>> -> memref<128x16xf32, #tpu.memory_space<vmem>>
      %dma_start3A_281 = arith.constant 0 : i32
      %dma_start3A_282 = tpu.memref_slice %arg7[%dma_start3A_277, %dma_start3A_281] : memref<5x128xi32, #tpu.memory_space<vmem>> -> memref<1x128xi32, #tpu.memory_space<vmem>>
      %dma_start3A_283 = tpu.memref_squeeze %dma_start3A_282 : memref<1x128xi32, #tpu.memory_space<vmem>> -> memref<128xi32, #tpu.memory_space<vmem>>
      %dma_start3A_284 = arith.constant 0 : i32
      %dma_start3A_285 = arith.constant 0 : i32
      %dma_start3A_286 = tpu.memref_slice %arg4[%dma_start3A_284, %dma_start3A_285] : memref<1000000x16xf32, #tpu.memory_space<hbm>> -> memref<1000000x16xf32, #tpu.memory_space<hbm>>
      tpu.enqueue_indirect_dma source(%dma_start3A_286 : memref<1000000x16xf32, #tpu.memory_space<hbm>>) target(%dma_start3A_280 : memref<128x16xf32, #tpu.memory_space<vmem>>) offsets(%dma_start3A_283 : memref<128xi32, #tpu.memory_space<vmem>>) semaphore(%arg11 : memref<!tpu.dma_semaphore, #tpu.memory_space<semaphore_mem>>)
      %dma_start3A_287 = arith.constant 4 : i32
      %dma_start3A_288 = arith.constant 512 : i32
      %dma_start3A_289 = arith.constant 0 : i32
      %dma_start3A_290 = tpu.memref_slice %arg8[%dma_start3A_288, %dma_start3A_289] : memref<640x64xf32, #tpu.memory_space<vmem>> -> memref<128x64xf32, #tpu.memory_space<vmem>>
      %dma_start3A_291 = arith.constant 0 : i32
      %dma_start3A_292 = tpu.memref_slice %arg7[%dma_start3A_287, %dma_start3A_291] : memref<5x128xi32, #tpu.memory_space<vmem>> -> memref<1x128xi32, #tpu.memory_space<vmem>>
      %dma_start3A_293 = tpu.memref_squeeze %dma_start3A_292 : memref<1x128xi32, #tpu.memory_space<vmem>> -> memref<128xi32, #tpu.memory_space<vmem>>
      %dma_start3A_294 = arith.constant 0 : i32
      %dma_start3A_295 = arith.constant 0 : i32
      %dma_start3A_296 = tpu.memref_slice %arg3[%dma_start3A_294, %dma_start3A_295] : memref<1000000x64xf32, #tpu.memory_space<hbm>> -> memref<1000000x64xf32, #tpu.memory_space<hbm>>
      tpu.enqueue_indirect_dma source(%dma_start3A_296 : memref<1000000x64xf32, #tpu.memory_space<hbm>>) target(%dma_start3A_290 : memref<128x64xf32, #tpu.memory_space<vmem>>) offsets(%dma_start3A_293 : memref<128xi32, #tpu.memory_space<vmem>>) semaphore(%arg11 : memref<!tpu.dma_semaphore, #tpu.memory_space<semaphore_mem>>)
      %dma_start3A_297 = arith.constant 4 : i32
      %dma_start3A_298 = arith.constant 512 : i32
      %dma_start3A_299 = arith.constant 0 : i32
      %dma_start3A_300 = tpu.memref_slice %arg9[%dma_start3A_298, %dma_start3A_299] : memref<640x16xf32, #tpu.memory_space<vmem>> -> memref<128x16xf32, #tpu.memory_space<vmem>>
      %dma_start3A_301 = arith.constant 0 : i32
      %dma_start3A_302 = tpu.memref_slice %arg7[%dma_start3A_297, %dma_start3A_301] : memref<5x128xi32, #tpu.memory_space<vmem>> -> memref<1x128xi32, #tpu.memory_space<vmem>>
      %dma_start3A_303 = tpu.memref_squeeze %dma_start3A_302 : memref<1x128xi32, #tpu.memory_space<vmem>> -> memref<128xi32, #tpu.memory_space<vmem>>
      %dma_start3A_304 = arith.constant 0 : i32
      %dma_start3A_305 = arith.constant 0 : i32
      %dma_start3A_306 = tpu.memref_slice %arg4[%dma_start3A_304, %dma_start3A_305] : memref<1000000x16xf32, #tpu.memory_space<hbm>> -> memref<1000000x16xf32, #tpu.memory_space<hbm>>
      tpu.enqueue_indirect_dma source(%dma_start3A_306 : memref<1000000x16xf32, #tpu.memory_space<hbm>>) target(%dma_start3A_300 : memref<128x16xf32, #tpu.memory_space<vmem>>) offsets(%dma_start3A_303 : memref<128xi32, #tpu.memory_space<vmem>>) semaphore(%arg11 : memref<!tpu.dma_semaphore, #tpu.memory_space<semaphore_mem>>)
      %dma_wait3A = arith.constant 0 : i32
      %dma_wait3A_307 = arith.constant 0 : i32
      %dma_wait3A_308 = arith.constant 0 : i32
      %dma_wait3A_309 = tpu.memref_slice %arg8[%dma_wait3A_307, %dma_wait3A_308] : memref<640x64xf32, #tpu.memory_space<vmem>> -> memref<128x64xf32, #tpu.memory_space<vmem>>
      %dma_wait3A_310 = arith.constant 0 : i32
      %dma_wait3A_311 = tpu.memref_slice %arg7[%dma_wait3A, %dma_wait3A_310] : memref<5x128xi32, #tpu.memory_space<vmem>> -> memref<1x128xi32, #tpu.memory_space<vmem>>
      %dma_wait3A_312 = tpu.memref_squeeze %dma_wait3A_311 : memref<1x128xi32, #tpu.memory_space<vmem>> -> memref<128xi32, #tpu.memory_space<vmem>>
      %dma_wait3A_313 = arith.constant 0 : i32
      %dma_wait3A_314 = arith.constant 0 : i32
      %dma_wait3A_315 = tpu.memref_slice %arg3[%dma_wait3A_313, %dma_wait3A_314] : memref<1000000x64xf32, #tpu.memory_space<hbm>> -> memref<1000000x64xf32, #tpu.memory_space<hbm>>
      tpu.wait_indirect_dma semaphore(%arg11 : memref<!tpu.dma_semaphore, #tpu.memory_space<semaphore_mem>>) src(%dma_wait3A_315 : memref<1000000x64xf32, #tpu.memory_space<hbm>>) dst(%dma_wait3A_309 : memref<128x64xf32, #tpu.memory_space<vmem>>)
      %dma_wait3A_316 = arith.constant 0 : i32
      %dma_wait3A_317 = arith.constant 0 : i32
      %dma_wait3A_318 = arith.constant 0 : i32
      %dma_wait3A_319 = tpu.memref_slice %arg9[%dma_wait3A_317, %dma_wait3A_318] : memref<640x16xf32, #tpu.memory_space<vmem>> -> memref<128x16xf32, #tpu.memory_space<vmem>>
      %dma_wait3A_320 = arith.constant 0 : i32
      %dma_wait3A_321 = tpu.memref_slice %arg7[%dma_wait3A_316, %dma_wait3A_320] : memref<5x128xi32, #tpu.memory_space<vmem>> -> memref<1x128xi32, #tpu.memory_space<vmem>>
      %dma_wait3A_322 = tpu.memref_squeeze %dma_wait3A_321 : memref<1x128xi32, #tpu.memory_space<vmem>> -> memref<128xi32, #tpu.memory_space<vmem>>
      %dma_wait3A_323 = arith.constant 0 : i32
      %dma_wait3A_324 = arith.constant 0 : i32
      %dma_wait3A_325 = tpu.memref_slice %arg4[%dma_wait3A_323, %dma_wait3A_324] : memref<1000000x16xf32, #tpu.memory_space<hbm>> -> memref<1000000x16xf32, #tpu.memory_space<hbm>>
      tpu.wait_indirect_dma semaphore(%arg11 : memref<!tpu.dma_semaphore, #tpu.memory_space<semaphore_mem>>) src(%dma_wait3A_325 : memref<1000000x16xf32, #tpu.memory_space<hbm>>) dst(%dma_wait3A_319 : memref<128x16xf32, #tpu.memory_space<vmem>>)
      %dma_wait3A_326 = arith.constant 1 : i32
      %dma_wait3A_327 = arith.constant 128 : i32
      %dma_wait3A_328 = arith.constant 0 : i32
      %dma_wait3A_329 = tpu.memref_slice %arg8[%dma_wait3A_327, %dma_wait3A_328] : memref<640x64xf32, #tpu.memory_space<vmem>> -> memref<128x64xf32, #tpu.memory_space<vmem>>
      %dma_wait3A_330 = arith.constant 0 : i32
      %dma_wait3A_331 = tpu.memref_slice %arg7[%dma_wait3A_326, %dma_wait3A_330] : memref<5x128xi32, #tpu.memory_space<vmem>> -> memref<1x128xi32, #tpu.memory_space<vmem>>
      %dma_wait3A_332 = tpu.memref_squeeze %dma_wait3A_331 : memref<1x128xi32, #tpu.memory_space<vmem>> -> memref<128xi32, #tpu.memory_space<vmem>>
      %dma_wait3A_333 = arith.constant 0 : i32
      %dma_wait3A_334 = arith.constant 0 : i32
      %dma_wait3A_335 = tpu.memref_slice %arg3[%dma_wait3A_333, %dma_wait3A_334] : memref<1000000x64xf32, #tpu.memory_space<hbm>> -> memref<1000000x64xf32, #tpu.memory_space<hbm>>
      tpu.wait_indirect_dma semaphore(%arg11 : memref<!tpu.dma_semaphore, #tpu.memory_space<semaphore_mem>>) src(%dma_wait3A_335 : memref<1000000x64xf32, #tpu.memory_space<hbm>>) dst(%dma_wait3A_329 : memref<128x64xf32, #tpu.memory_space<vmem>>)
      %dma_wait3A_336 = arith.constant 1 : i32
      %dma_wait3A_337 = arith.constant 128 : i32
      %dma_wait3A_338 = arith.constant 0 : i32
      %dma_wait3A_339 = tpu.memref_slice %arg9[%dma_wait3A_337, %dma_wait3A_338] : memref<640x16xf32, #tpu.memory_space<vmem>> -> memref<128x16xf32, #tpu.memory_space<vmem>>
      %dma_wait3A_340 = arith.constant 0 : i32
      %dma_wait3A_341 = tpu.memref_slice %arg7[%dma_wait3A_336, %dma_wait3A_340] : memref<5x128xi32, #tpu.memory_space<vmem>> -> memref<1x128xi32, #tpu.memory_space<vmem>>
      %dma_wait3A_342 = tpu.memref_squeeze %dma_wait3A_341 : memref<1x128xi32, #tpu.memory_space<vmem>> -> memref<128xi32, #tpu.memory_space<vmem>>
      %dma_wait3A_343 = arith.constant 0 : i32
      %dma_wait3A_344 = arith.constant 0 : i32
      %dma_wait3A_345 = tpu.memref_slice %arg4[%dma_wait3A_343, %dma_wait3A_344] : memref<1000000x16xf32, #tpu.memory_space<hbm>> -> memref<1000000x16xf32, #tpu.memory_space<hbm>>
      tpu.wait_indirect_dma semaphore(%arg11 : memref<!tpu.dma_semaphore, #tpu.memory_space<semaphore_mem>>) src(%dma_wait3A_345 : memref<1000000x16xf32, #tpu.memory_space<hbm>>) dst(%dma_wait3A_339 : memref<128x16xf32, #tpu.memory_space<vmem>>)
      %dma_wait3A_346 = arith.constant 2 : i32
      %dma_wait3A_347 = arith.constant 256 : i32
      %dma_wait3A_348 = arith.constant 0 : i32
      %dma_wait3A_349 = tpu.memref_slice %arg8[%dma_wait3A_347, %dma_wait3A_348] : memref<640x64xf32, #tpu.memory_space<vmem>> -> memref<128x64xf32, #tpu.memory_space<vmem>>
      %dma_wait3A_350 = arith.constant 0 : i32
      %dma_wait3A_351 = tpu.memref_slice %arg7[%dma_wait3A_346, %dma_wait3A_350] : memref<5x128xi32, #tpu.memory_space<vmem>> -> memref<1x128xi32, #tpu.memory_space<vmem>>
      %dma_wait3A_352 = tpu.memref_squeeze %dma_wait3A_351 : memref<1x128xi32, #tpu.memory_space<vmem>> -> memref<128xi32, #tpu.memory_space<vmem>>
      %dma_wait3A_353 = arith.constant 0 : i32
      %dma_wait3A_354 = arith.constant 0 : i32
      %dma_wait3A_355 = tpu.memref_slice %arg3[%dma_wait3A_353, %dma_wait3A_354] : memref<1000000x64xf32, #tpu.memory_space<hbm>> -> memref<1000000x64xf32, #tpu.memory_space<hbm>>
      tpu.wait_indirect_dma semaphore(%arg11 : memref<!tpu.dma_semaphore, #tpu.memory_space<semaphore_mem>>) src(%dma_wait3A_355 : memref<1000000x64xf32, #tpu.memory_space<hbm>>) dst(%dma_wait3A_349 : memref<128x64xf32, #tpu.memory_space<vmem>>)
      %dma_wait3A_356 = arith.constant 2 : i32
      %dma_wait3A_357 = arith.constant 256 : i32
      %dma_wait3A_358 = arith.constant 0 : i32
      %dma_wait3A_359 = tpu.memref_slice %arg9[%dma_wait3A_357, %dma_wait3A_358] : memref<640x16xf32, #tpu.memory_space<vmem>> -> memref<128x16xf32, #tpu.memory_space<vmem>>
      %dma_wait3A_360 = arith.constant 0 : i32
      %dma_wait3A_361 = tpu.memref_slice %arg7[%dma_wait3A_356, %dma_wait3A_360] : memref<5x128xi32, #tpu.memory_space<vmem>> -> memref<1x128xi32, #tpu.memory_space<vmem>>
      %dma_wait3A_362 = tpu.memref_squeeze %dma_wait3A_361 : memref<1x128xi32, #tpu.memory_space<vmem>> -> memref<128xi32, #tpu.memory_space<vmem>>
      %dma_wait3A_363 = arith.constant 0 : i32
      %dma_wait3A_364 = arith.constant 0 : i32
      %dma_wait3A_365 = tpu.memref_slice %arg4[%dma_wait3A_363, %dma_wait3A_364] : memref<1000000x16xf32, #tpu.memory_space<hbm>> -> memref<1000000x16xf32, #tpu.memory_space<hbm>>
      tpu.wait_indirect_dma semaphore(%arg11 : memref<!tpu.dma_semaphore, #tpu.memory_space<semaphore_mem>>) src(%dma_wait3A_365 : memref<1000000x16xf32, #tpu.memory_space<hbm>>) dst(%dma_wait3A_359 : memref<128x16xf32, #tpu.memory_space<vmem>>)
      %dma_wait3A_366 = arith.constant 3 : i32
      %dma_wait3A_367 = arith.constant 384 : i32
      %dma_wait3A_368 = arith.constant 0 : i32
      %dma_wait3A_369 = tpu.memref_slice %arg8[%dma_wait3A_367, %dma_wait3A_368] : memref<640x64xf32, #tpu.memory_space<vmem>> -> memref<128x64xf32, #tpu.memory_space<vmem>>
      %dma_wait3A_370 = arith.constant 0 : i32
      %dma_wait3A_371 = tpu.memref_slice %arg7[%dma_wait3A_366, %dma_wait3A_370] : memref<5x128xi32, #tpu.memory_space<vmem>> -> memref<1x128xi32, #tpu.memory_space<vmem>>
      %dma_wait3A_372 = tpu.memref_squeeze %dma_wait3A_371 : memref<1x128xi32, #tpu.memory_space<vmem>> -> memref<128xi32, #tpu.memory_space<vmem>>
      %dma_wait3A_373 = arith.constant 0 : i32
      %dma_wait3A_374 = arith.constant 0 : i32
      %dma_wait3A_375 = tpu.memref_slice %arg3[%dma_wait3A_373, %dma_wait3A_374] : memref<1000000x64xf32, #tpu.memory_space<hbm>> -> memref<1000000x64xf32, #tpu.memory_space<hbm>>
      tpu.wait_indirect_dma semaphore(%arg11 : memref<!tpu.dma_semaphore, #tpu.memory_space<semaphore_mem>>) src(%dma_wait3A_375 : memref<1000000x64xf32, #tpu.memory_space<hbm>>) dst(%dma_wait3A_369 : memref<128x64xf32, #tpu.memory_space<vmem>>)
      %dma_wait3A_376 = arith.constant 3 : i32
      %dma_wait3A_377 = arith.constant 384 : i32
      %dma_wait3A_378 = arith.constant 0 : i32
      %dma_wait3A_379 = tpu.memref_slice %arg9[%dma_wait3A_377, %dma_wait3A_378] : memref<640x16xf32, #tpu.memory_space<vmem>> -> memref<128x16xf32, #tpu.memory_space<vmem>>
      %dma_wait3A_380 = arith.constant 0 : i32
      %dma_wait3A_381 = tpu.memref_slice %arg7[%dma_wait3A_376, %dma_wait3A_380] : memref<5x128xi32, #tpu.memory_space<vmem>> -> memref<1x128xi32, #tpu.memory_space<vmem>>
      %dma_wait3A_382 = tpu.memref_squeeze %dma_wait3A_381 : memref<1x128xi32, #tpu.memory_space<vmem>> -> memref<128xi32, #tpu.memory_space<vmem>>
      %dma_wait3A_383 = arith.constant 0 : i32
      %dma_wait3A_384 = arith.constant 0 : i32
      %dma_wait3A_385 = tpu.memref_slice %arg4[%dma_wait3A_383, %dma_wait3A_384] : memref<1000000x16xf32, #tpu.memory_space<hbm>> -> memref<1000000x16xf32, #tpu.memory_space<hbm>>
      tpu.wait_indirect_dma semaphore(%arg11 : memref<!tpu.dma_semaphore, #tpu.memory_space<semaphore_mem>>) src(%dma_wait3A_385 : memref<1000000x16xf32, #tpu.memory_space<hbm>>) dst(%dma_wait3A_379 : memref<128x16xf32, #tpu.memory_space<vmem>>)
      %dma_wait3A_386 = arith.constant 4 : i32
      %dma_wait3A_387 = arith.constant 512 : i32
      %dma_wait3A_388 = arith.constant 0 : i32
      %dma_wait3A_389 = tpu.memref_slice %arg8[%dma_wait3A_387, %dma_wait3A_388] : memref<640x64xf32, #tpu.memory_space<vmem>> -> memref<128x64xf32, #tpu.memory_space<vmem>>
      %dma_wait3A_390 = arith.constant 0 : i32
      %dma_wait3A_391 = tpu.memref_slice %arg7[%dma_wait3A_386, %dma_wait3A_390] : memref<5x128xi32, #tpu.memory_space<vmem>> -> memref<1x128xi32, #tpu.memory_space<vmem>>
      %dma_wait3A_392 = tpu.memref_squeeze %dma_wait3A_391 : memref<1x128xi32, #tpu.memory_space<vmem>> -> memref<128xi32, #tpu.memory_space<vmem>>
      %dma_wait3A_393 = arith.constant 0 : i32
      %dma_wait3A_394 = arith.constant 0 : i32
      %dma_wait3A_395 = tpu.memref_slice %arg3[%dma_wait3A_393, %dma_wait3A_394] : memref<1000000x64xf32, #tpu.memory_space<hbm>> -> memref<1000000x64xf32, #tpu.memory_space<hbm>>
      tpu.wait_indirect_dma semaphore(%arg11 : memref<!tpu.dma_semaphore, #tpu.memory_space<semaphore_mem>>) src(%dma_wait3A_395 : memref<1000000x64xf32, #tpu.memory_space<hbm>>) dst(%dma_wait3A_389 : memref<128x64xf32, #tpu.memory_space<vmem>>)
      %dma_wait3A_396 = arith.constant 4 : i32
      %dma_wait3A_397 = arith.constant 512 : i32
      %dma_wait3A_398 = arith.constant 0 : i32
      %dma_wait3A_399 = tpu.memref_slice %arg9[%dma_wait3A_397, %dma_wait3A_398] : memref<640x16xf32, #tpu.memory_space<vmem>> -> memref<128x16xf32, #tpu.memory_space<vmem>>
      %dma_wait3A_400 = arith.constant 0 : i32
      %dma_wait3A_401 = tpu.memref_slice %arg7[%dma_wait3A_396, %dma_wait3A_400] : memref<5x128xi32, #tpu.memory_space<vmem>> -> memref<1x128xi32, #tpu.memory_space<vmem>>
      %dma_wait3A_402 = tpu.memref_squeeze %dma_wait3A_401 : memref<1x128xi32, #tpu.memory_space<vmem>> -> memref<128xi32, #tpu.memory_space<vmem>>
      %dma_wait3A_403 = arith.constant 0 : i32
      %dma_wait3A_404 = arith.constant 0 : i32
      %dma_wait3A_405 = tpu.memref_slice %arg4[%dma_wait3A_403, %dma_wait3A_404] : memref<1000000x16xf32, #tpu.memory_space<hbm>> -> memref<1000000x16xf32, #tpu.memory_space<hbm>>
      tpu.wait_indirect_dma semaphore(%arg11 : memref<!tpu.dma_semaphore, #tpu.memory_space<semaphore_mem>>) src(%dma_wait3A_405 : memref<1000000x16xf32, #tpu.memory_space<hbm>>) dst(%dma_wait3A_399 : memref<128x16xf32, #tpu.memory_space<vmem>>)
      %parallel_loop3A = arith.constant 0 : i32
      %parallel_loop3A_406 = arith.constant 640 : i32
      %parallel_loop3A_407 = arith.constant 1 : i32
      scf.for %parallel_loop3A_409 = %parallel_loop3A to %parallel_loop3A_406 step %parallel_loop3A_407  : i32 {
        %parallel_loop3A_410 = arith.index_cast %parallel_loop3A_409 : i32 to index
        %parallel_loop3A_411 = arith.constant 0 : index
        %parallel_loop3A_412 = tpu.vector_load %arg9[%parallel_loop3A_410, %parallel_loop3A_411] {strides = array<i32>} : memref<640x16xf32, #tpu.memory_space<vmem>>, vector<1x16xf32>,
        %parallel_loop3A_413 = vector.shape_cast %parallel_loop3A_412 : vector<1x16xf32> to vector<16xf32>
        %parallel_loop3A_414 = vector.extract_strided_slice %parallel_loop3A_413 {offsets = [0], sizes = [1], strides = [1]} : vector<16xf32> to vector<1xf32>
        %parallel_loop3A_415 = vector.extract %parallel_loop3A_414[0] : f32 from vector<1xf32>
        %parallel_loop3A_416 = vector.extract_strided_slice %parallel_loop3A_413 {offsets = [1], sizes = [1], strides = [1]} : vector<16xf32> to vector<1xf32>
        %parallel_loop3A_417 = vector.extract %parallel_loop3A_416[0] : f32 from vector<1xf32>
        %parallel_loop3A_418 = vector.extract_strided_slice %parallel_loop3A_413 {offsets = [2], sizes = [1], strides = [1]} : vector<16xf32> to vector<1xf32>
        %parallel_loop3A_419 = vector.extract %parallel_loop3A_418[0] : f32 from vector<1xf32>
        %parallel_loop3A_420 = vector.extract_strided_slice %parallel_loop3A_413 {offsets = [3], sizes = [1], strides = [1]} : vector<16xf32> to vector<1xf32>
        %parallel_loop3A_421 = vector.extract %parallel_loop3A_420[0] : f32 from vector<1xf32>
        %parallel_loop3A_422 = vector.extract_strided_slice %parallel_loop3A_413 {offsets = [4], sizes = [1], strides = [1]} : vector<16xf32> to vector<1xf32>
        %parallel_loop3A_423 = vector.extract %parallel_loop3A_422[0] : f32 from vector<1xf32>
        %parallel_loop3A_424 = vector.extract_strided_slice %parallel_loop3A_413 {offsets = [5], sizes = [1], strides = [1]} : vector<16xf32> to vector<1xf32>
        %parallel_loop3A_425 = vector.extract %parallel_loop3A_424[0] : f32 from vector<1xf32>
        %parallel_loop3A_426 = vector.extract_strided_slice %parallel_loop3A_413 {offsets = [6], sizes = [1], strides = [1]} : vector<16xf32> to vector<1xf32>
        %parallel_loop3A_427 = vector.extract %parallel_loop3A_426[0] : f32 from vector<1xf32>
        %parallel_loop3A_428 = vector.extract_strided_slice %parallel_loop3A_413 {offsets = [7], sizes = [1], strides = [1]} : vector<16xf32> to vector<1xf32>
        %parallel_loop3A_429 = vector.extract %parallel_loop3A_428[0] : f32 from vector<1xf32>
        %parallel_loop3A_430 = vector.extract_strided_slice %parallel_loop3A_413 {offsets = [8], sizes = [1], strides = [1]} : vector<16xf32> to vector<1xf32>
        %parallel_loop3A_431 = vector.extract %parallel_loop3A_430[0] : f32 from vector<1xf32>
        %parallel_loop3A_432 = vector.extract_strided_slice %parallel_loop3A_413 {offsets = [9], sizes = [1], strides = [1]} : vector<16xf32> to vector<1xf32>
        %parallel_loop3A_433 = vector.extract %parallel_loop3A_432[0] : f32 from vector<1xf32>
        %parallel_loop3A_434 = vector.extract_strided_slice %parallel_loop3A_413 {offsets = [10], sizes = [1], strides = [1]} : vector<16xf32> to vector<1xf32>
        %parallel_loop3A_435 = vector.extract %parallel_loop3A_434[0] : f32 from vector<1xf32>
        %parallel_loop3A_436 = vector.extract_strided_slice %parallel_loop3A_413 {offsets = [11], sizes = [1], strides = [1]} : vector<16xf32> to vector<1xf32>
        %parallel_loop3A_437 = vector.extract %parallel_loop3A_436[0] : f32 from vector<1xf32>
        %parallel_loop3A_438 = vector.extract_strided_slice %parallel_loop3A_413 {offsets = [12], sizes = [1], strides = [1]} : vector<16xf32> to vector<1xf32>
        %parallel_loop3A_439 = vector.extract %parallel_loop3A_438[0] : f32 from vector<1xf32>
        %parallel_loop3A_440 = vector.extract_strided_slice %parallel_loop3A_413 {offsets = [13], sizes = [1], strides = [1]} : vector<16xf32> to vector<1xf32>
        %parallel_loop3A_441 = vector.extract %parallel_loop3A_440[0] : f32 from vector<1xf32>
        %parallel_loop3A_442 = vector.extract_strided_slice %parallel_loop3A_413 {offsets = [14], sizes = [1], strides = [1]} : vector<16xf32> to vector<1xf32>
        %parallel_loop3A_443 = vector.extract %parallel_loop3A_442[0] : f32 from vector<1xf32>
        %parallel_loop3A_444 = vector.extract_strided_slice %parallel_loop3A_413 {offsets = [15], sizes = [1], strides = [1]} : vector<16xf32> to vector<1xf32>
        %parallel_loop3A_445 = vector.extract %parallel_loop3A_444[0] : f32 from vector<1xf32>
        %parallel_loop3A_446 = arith.index_cast %parallel_loop3A_409 : i32 to index
        %parallel_loop3A_447 = arith.constant 0 : index
        %parallel_loop3A_448 = tpu.vector_load %arg8[%parallel_loop3A_446, %parallel_loop3A_447] {strides = array<i32>} : memref<640x64xf32, #tpu.memory_space<vmem>>, vector<1x16xf32>,
        %parallel_loop3A_449 = vector.shape_cast %parallel_loop3A_448 : vector<1x16xf32> to vector<16xf32>
        %parallel_loop3A_450 = vector.broadcast %parallel_loop3A_415 : f32 to vector<16xf32>
        %parallel_loop3A_451 = arith.mulf %parallel_loop3A_450, %get3A_2 : vector<16xf32>
        %parallel_loop3A_452 = arith.addf %parallel_loop3A_449, %parallel_loop3A_451 : vector<16xf32>
        %parallel_loop3A_453 = vector.broadcast %parallel_loop3A_417 : f32 to vector<16xf32>
        %parallel_loop3A_454 = arith.mulf %parallel_loop3A_453, %get3A_14 : vector<16xf32>
        %parallel_loop3A_455 = arith.addf %parallel_loop3A_452, %parallel_loop3A_454 : vector<16xf32>
        %parallel_loop3A_456 = vector.broadcast %parallel_loop3A_419 : f32 to vector<16xf32>
        %parallel_loop3A_457 = arith.mulf %parallel_loop3A_456, %get3A_26 : vector<16xf32>
        %parallel_loop3A_458 = arith.addf %parallel_loop3A_455, %parallel_loop3A_457 : vector<16xf32>
        %parallel_loop3A_459 = vector.broadcast %parallel_loop3A_421 : f32 to vector<16xf32>
        %parallel_loop3A_460 = arith.mulf %parallel_loop3A_459, %get3A_38 : vector<16xf32>
        %parallel_loop3A_461 = arith.addf %parallel_loop3A_458, %parallel_loop3A_460 : vector<16xf32>
        %parallel_loop3A_462 = vector.broadcast %parallel_loop3A_423 : f32 to vector<16xf32>
        %parallel_loop3A_463 = arith.mulf %parallel_loop3A_462, %get3A_50 : vector<16xf32>
        %parallel_loop3A_464 = arith.addf %parallel_loop3A_461, %parallel_loop3A_463 : vector<16xf32>
        %parallel_loop3A_465 = vector.broadcast %parallel_loop3A_425 : f32 to vector<16xf32>
        %parallel_loop3A_466 = arith.mulf %parallel_loop3A_465, %get3A_62 : vector<16xf32>
        %parallel_loop3A_467 = arith.addf %parallel_loop3A_464, %parallel_loop3A_466 : vector<16xf32>
        %parallel_loop3A_468 = vector.broadcast %parallel_loop3A_427 : f32 to vector<16xf32>
        %parallel_loop3A_469 = arith.mulf %parallel_loop3A_468, %get3A_74 : vector<16xf32>
        %parallel_loop3A_470 = arith.addf %parallel_loop3A_467, %parallel_loop3A_469 : vector<16xf32>
        %parallel_loop3A_471 = vector.broadcast %parallel_loop3A_429 : f32 to vector<16xf32>
        %parallel_loop3A_472 = arith.mulf %parallel_loop3A_471, %get3A_86 : vector<16xf32>
        %parallel_loop3A_473 = arith.addf %parallel_loop3A_470, %parallel_loop3A_472 : vector<16xf32>
        %parallel_loop3A_474 = vector.broadcast %parallel_loop3A_431 : f32 to vector<16xf32>
        %parallel_loop3A_475 = arith.mulf %parallel_loop3A_474, %get3A_98 : vector<16xf32>
        %parallel_loop3A_476 = arith.addf %parallel_loop3A_473, %parallel_loop3A_475 : vector<16xf32>
        %parallel_loop3A_477 = vector.broadcast %parallel_loop3A_433 : f32 to vector<16xf32>
        %parallel_loop3A_478 = arith.mulf %parallel_loop3A_477, %get3A_110 : vector<16xf32>
        %parallel_loop3A_479 = arith.addf %parallel_loop3A_476, %parallel_loop3A_478 : vector<16xf32>
        %parallel_loop3A_480 = vector.broadcast %parallel_loop3A_435 : f32 to vector<16xf32>
        %parallel_loop3A_481 = arith.mulf %parallel_loop3A_480, %get3A_122 : vector<16xf32>
        %parallel_loop3A_482 = arith.addf %parallel_loop3A_479, %parallel_loop3A_481 : vector<16xf32>
        %parallel_loop3A_483 = vector.broadcast %parallel_loop3A_437 : f32 to vector<16xf32>
        %parallel_loop3A_484 = arith.mulf %parallel_loop3A_483, %get3A_134 : vector<16xf32>
        %parallel_loop3A_485 = arith.addf %parallel_loop3A_482, %parallel_loop3A_484 : vector<16xf32>
        %parallel_loop3A_486 = vector.broadcast %parallel_loop3A_439 : f32 to vector<16xf32>
        %parallel_loop3A_487 = arith.mulf %parallel_loop3A_486, %get3A_146 : vector<16xf32>
        %parallel_loop3A_488 = arith.addf %parallel_loop3A_485, %parallel_loop3A_487 : vector<16xf32>
        %parallel_loop3A_489 = vector.broadcast %parallel_loop3A_441 : f32 to vector<16xf32>
        %parallel_loop3A_490 = arith.mulf %parallel_loop3A_489, %get3A_158 : vector<16xf32>
        %parallel_loop3A_491 = arith.addf %parallel_loop3A_488, %parallel_loop3A_490 : vector<16xf32>
        %parallel_loop3A_492 = vector.broadcast %parallel_loop3A_443 : f32 to vector<16xf32>
        %parallel_loop3A_493 = arith.mulf %parallel_loop3A_492, %get3A_170 : vector<16xf32>
        %parallel_loop3A_494 = arith.addf %parallel_loop3A_491, %parallel_loop3A_493 : vector<16xf32>
        %parallel_loop3A_495 = vector.broadcast %parallel_loop3A_445 : f32 to vector<16xf32>
        %parallel_loop3A_496 = arith.mulf %parallel_loop3A_495, %get3A_182 : vector<16xf32>
        %parallel_loop3A_497 = arith.addf %parallel_loop3A_494, %parallel_loop3A_496 : vector<16xf32>
        %parallel_loop3A_498 = arith.index_cast %parallel_loop3A_409 : i32 to index
        %parallel_loop3A_499 = arith.constant 0 : index
        %parallel_loop3A_500 = tpu.vector_load %arg8[%parallel_loop3A_498, %parallel_loop3A_499] {strides = array<i32>} : memref<640x64xf32, #tpu.memory_space<vmem>>, vector<1x16xf32>,
        %parallel_loop3A_501 = vector.shape_cast %parallel_loop3A_500 : vector<1x16xf32> to vector<16xf32>
        %parallel_loop3A_502 = vector.shape_cast %parallel_loop3A_497 : vector<16xf32> to vector<1x16xf32>
        tpu.vector_store %arg8[%parallel_loop3A_498, %parallel_loop3A_499], %parallel_loop3A_502 {strides = array<i32>} : memref<640x64xf32, #tpu.memory_space<vmem>>, vector<1x16xf32>,
        %parallel_loop3A_503 = arith.index_cast %parallel_loop3A_409 : i32 to index
        %parallel_loop3A_504 = arith.constant 16 : index
        %parallel_loop3A_505 = tpu.vector_load %arg8[%parallel_loop3A_503, %parallel_loop3A_504] {strides = array<i32>} : memref<640x64xf32, #tpu.memory_space<vmem>>, vector<1x16xf32>,
        %parallel_loop3A_506 = vector.shape_cast %parallel_loop3A_505 : vector<1x16xf32> to vector<16xf32>
        %parallel_loop3A_507 = vector.broadcast %parallel_loop3A_415 : f32 to vector<16xf32>
        %parallel_loop3A_508 = arith.mulf %parallel_loop3A_507, %get3A_5 : vector<16xf32>
        %parallel_loop3A_509 = arith.addf %parallel_loop3A_506, %parallel_loop3A_508 : vector<16xf32>
        %parallel_loop3A_510 = vector.broadcast %parallel_loop3A_417 : f32 to vector<16xf32>
        %parallel_loop3A_511 = arith.mulf %parallel_loop3A_510, %get3A_17 : vector<16xf32>
        %parallel_loop3A_512 = arith.addf %parallel_loop3A_509, %parallel_loop3A_511 : vector<16xf32>
        %parallel_loop3A_513 = vector.broadcast %parallel_loop3A_419 : f32 to vector<16xf32>
        %parallel_loop3A_514 = arith.mulf %parallel_loop3A_513, %get3A_29 : vector<16xf32>
        %parallel_loop3A_515 = arith.addf %parallel_loop3A_512, %parallel_loop3A_514 : vector<16xf32>
        %parallel_loop3A_516 = vector.broadcast %parallel_loop3A_421 : f32 to vector<16xf32>
        %parallel_loop3A_517 = arith.mulf %parallel_loop3A_516, %get3A_41 : vector<16xf32>
        %parallel_loop3A_518 = arith.addf %parallel_loop3A_515, %parallel_loop3A_517 : vector<16xf32>
        %parallel_loop3A_519 = vector.broadcast %parallel_loop3A_423 : f32 to vector<16xf32>
        %parallel_loop3A_520 = arith.mulf %parallel_loop3A_519, %get3A_53 : vector<16xf32>
        %parallel_loop3A_521 = arith.addf %parallel_loop3A_518, %parallel_loop3A_520 : vector<16xf32>
        %parallel_loop3A_522 = vector.broadcast %parallel_loop3A_425 : f32 to vector<16xf32>
        %parallel_loop3A_523 = arith.mulf %parallel_loop3A_522, %get3A_65 : vector<16xf32>
        %parallel_loop3A_524 = arith.addf %parallel_loop3A_521, %parallel_loop3A_523 : vector<16xf32>
        %parallel_loop3A_525 = vector.broadcast %parallel_loop3A_427 : f32 to vector<16xf32>
        %parallel_loop3A_526 = arith.mulf %parallel_loop3A_525, %get3A_77 : vector<16xf32>
        %parallel_loop3A_527 = arith.addf %parallel_loop3A_524, %parallel_loop3A_526 : vector<16xf32>
        %parallel_loop3A_528 = vector.broadcast %parallel_loop3A_429 : f32 to vector<16xf32>
        %parallel_loop3A_529 = arith.mulf %parallel_loop3A_528, %get3A_89 : vector<16xf32>
        %parallel_loop3A_530 = arith.addf %parallel_loop3A_527, %parallel_loop3A_529 : vector<16xf32>
        %parallel_loop3A_531 = vector.broadcast %parallel_loop3A_431 : f32 to vector<16xf32>
        %parallel_loop3A_532 = arith.mulf %parallel_loop3A_531, %get3A_101 : vector<16xf32>
        %parallel_loop3A_533 = arith.addf %parallel_loop3A_530, %parallel_loop3A_532 : vector<16xf32>
        %parallel_loop3A_534 = vector.broadcast %parallel_loop3A_433 : f32 to vector<16xf32>
        %parallel_loop3A_535 = arith.mulf %parallel_loop3A_534, %get3A_113 : vector<16xf32>
        %parallel_loop3A_536 = arith.addf %parallel_loop3A_533, %parallel_loop3A_535 : vector<16xf32>
        %parallel_loop3A_537 = vector.broadcast %parallel_loop3A_435 : f32 to vector<16xf32>
        %parallel_loop3A_538 = arith.mulf %parallel_loop3A_537, %get3A_125 : vector<16xf32>
        %parallel_loop3A_539 = arith.addf %parallel_loop3A_536, %parallel_loop3A_538 : vector<16xf32>
        %parallel_loop3A_540 = vector.broadcast %parallel_loop3A_437 : f32 to vector<16xf32>
        %parallel_loop3A_541 = arith.mulf %parallel_loop3A_540, %get3A_137 : vector<16xf32>
        %parallel_loop3A_542 = arith.addf %parallel_loop3A_539, %parallel_loop3A_541 : vector<16xf32>
        %parallel_loop3A_543 = vector.broadcast %parallel_loop3A_439 : f32 to vector<16xf32>
        %parallel_loop3A_544 = arith.mulf %parallel_loop3A_543, %get3A_149 : vector<16xf32>
        %parallel_loop3A_545 = arith.addf %parallel_loop3A_542, %parallel_loop3A_544 : vector<16xf32>
        %parallel_loop3A_546 = vector.broadcast %parallel_loop3A_441 : f32 to vector<16xf32>
        %parallel_loop3A_547 = arith.mulf %parallel_loop3A_546, %get3A_161 : vector<16xf32>
        %parallel_loop3A_548 = arith.addf %parallel_loop3A_545, %parallel_loop3A_547 : vector<16xf32>
        %parallel_loop3A_549 = vector.broadcast %parallel_loop3A_443 : f32 to vector<16xf32>
        %parallel_loop3A_550 = arith.mulf %parallel_loop3A_549, %get3A_173 : vector<16xf32>
        %parallel_loop3A_551 = arith.addf %parallel_loop3A_548, %parallel_loop3A_550 : vector<16xf32>
        %parallel_loop3A_552 = vector.broadcast %parallel_loop3A_445 : f32 to vector<16xf32>
        %parallel_loop3A_553 = arith.mulf %parallel_loop3A_552, %get3A_185 : vector<16xf32>
        %parallel_loop3A_554 = arith.addf %parallel_loop3A_551, %parallel_loop3A_553 : vector<16xf32>
        %parallel_loop3A_555 = arith.index_cast %parallel_loop3A_409 : i32 to index
        %parallel_loop3A_556 = arith.constant 16 : index
        %parallel_loop3A_557 = tpu.vector_load %arg8[%parallel_loop3A_555, %parallel_loop3A_556] {strides = array<i32>} : memref<640x64xf32, #tpu.memory_space<vmem>>, vector<1x16xf32>,
        %parallel_loop3A_558 = vector.shape_cast %parallel_loop3A_557 : vector<1x16xf32> to vector<16xf32>
        %parallel_loop3A_559 = vector.shape_cast %parallel_loop3A_554 : vector<16xf32> to vector<1x16xf32>
        tpu.vector_store %arg8[%parallel_loop3A_555, %parallel_loop3A_556], %parallel_loop3A_559 {strides = array<i32>} : memref<640x64xf32, #tpu.memory_space<vmem>>, vector<1x16xf32>,
        %parallel_loop3A_560 = arith.index_cast %parallel_loop3A_409 : i32 to index
        %parallel_loop3A_561 = arith.constant 32 : index
        %parallel_loop3A_562 = tpu.vector_load %arg8[%parallel_loop3A_560, %parallel_loop3A_561] {strides = array<i32>} : memref<640x64xf32, #tpu.memory_space<vmem>>, vector<1x16xf32>,
        %parallel_loop3A_563 = vector.shape_cast %parallel_loop3A_562 : vector<1x16xf32> to vector<16xf32>
        %parallel_loop3A_564 = vector.broadcast %parallel_loop3A_415 : f32 to vector<16xf32>
        %parallel_loop3A_565 = arith.mulf %parallel_loop3A_564, %get3A_8 : vector<16xf32>
        %parallel_loop3A_566 = arith.addf %parallel_loop3A_563, %parallel_loop3A_565 : vector<16xf32>
        %parallel_loop3A_567 = vector.broadcast %parallel_loop3A_417 : f32 to vector<16xf32>
        %parallel_loop3A_568 = arith.mulf %parallel_loop3A_567, %get3A_20 : vector<16xf32>
        %parallel_loop3A_569 = arith.addf %parallel_loop3A_566, %parallel_loop3A_568 : vector<16xf32>
        %parallel_loop3A_570 = vector.broadcast %parallel_loop3A_419 : f32 to vector<16xf32>
        %parallel_loop3A_571 = arith.mulf %parallel_loop3A_570, %get3A_32 : vector<16xf32>
        %parallel_loop3A_572 = arith.addf %parallel_loop3A_569, %parallel_loop3A_571 : vector<16xf32>
        %parallel_loop3A_573 = vector.broadcast %parallel_loop3A_421 : f32 to vector<16xf32>
        %parallel_loop3A_574 = arith.mulf %parallel_loop3A_573, %get3A_44 : vector<16xf32>
        %parallel_loop3A_575 = arith.addf %parallel_loop3A_572, %parallel_loop3A_574 : vector<16xf32>
        %parallel_loop3A_576 = vector.broadcast %parallel_loop3A_423 : f32 to vector<16xf32>
        %parallel_loop3A_577 = arith.mulf %parallel_loop3A_576, %get3A_56 : vector<16xf32>
        %parallel_loop3A_578 = arith.addf %parallel_loop3A_575, %parallel_loop3A_577 : vector<16xf32>
        %parallel_loop3A_579 = vector.broadcast %parallel_loop3A_425 : f32 to vector<16xf32>
        %parallel_loop3A_580 = arith.mulf %parallel_loop3A_579, %get3A_68 : vector<16xf32>
        %parallel_loop3A_581 = arith.addf %parallel_loop3A_578, %parallel_loop3A_580 : vector<16xf32>
        %parallel_loop3A_582 = vector.broadcast %parallel_loop3A_427 : f32 to vector<16xf32>
        %parallel_loop3A_583 = arith.mulf %parallel_loop3A_582, %get3A_80 : vector<16xf32>
        %parallel_loop3A_584 = arith.addf %parallel_loop3A_581, %parallel_loop3A_583 : vector<16xf32>
        %parallel_loop3A_585 = vector.broadcast %parallel_loop3A_429 : f32 to vector<16xf32>
        %parallel_loop3A_586 = arith.mulf %parallel_loop3A_585, %get3A_92 : vector<16xf32>
        %parallel_loop3A_587 = arith.addf %parallel_loop3A_584, %parallel_loop3A_586 : vector<16xf32>
        %parallel_loop3A_588 = vector.broadcast %parallel_loop3A_431 : f32 to vector<16xf32>
        %parallel_loop3A_589 = arith.mulf %parallel_loop3A_588, %get3A_104 : vector<16xf32>
        %parallel_loop3A_590 = arith.addf %parallel_loop3A_587, %parallel_loop3A_589 : vector<16xf32>
        %parallel_loop3A_591 = vector.broadcast %parallel_loop3A_433 : f32 to vector<16xf32>
        %parallel_loop3A_592 = arith.mulf %parallel_loop3A_591, %get3A_116 : vector<16xf32>
        %parallel_loop3A_593 = arith.addf %parallel_loop3A_590, %parallel_loop3A_592 : vector<16xf32>
        %parallel_loop3A_594 = vector.broadcast %parallel_loop3A_435 : f32 to vector<16xf32>
        %parallel_loop3A_595 = arith.mulf %parallel_loop3A_594, %get3A_128 : vector<16xf32>
        %parallel_loop3A_596 = arith.addf %parallel_loop3A_593, %parallel_loop3A_595 : vector<16xf32>
        %parallel_loop3A_597 = vector.broadcast %parallel_loop3A_437 : f32 to vector<16xf32>
        %parallel_loop3A_598 = arith.mulf %parallel_loop3A_597, %get3A_140 : vector<16xf32>
        %parallel_loop3A_599 = arith.addf %parallel_loop3A_596, %parallel_loop3A_598 : vector<16xf32>
        %parallel_loop3A_600 = vector.broadcast %parallel_loop3A_439 : f32 to vector<16xf32>
        %parallel_loop3A_601 = arith.mulf %parallel_loop3A_600, %get3A_152 : vector<16xf32>
        %parallel_loop3A_602 = arith.addf %parallel_loop3A_599, %parallel_loop3A_601 : vector<16xf32>
        %parallel_loop3A_603 = vector.broadcast %parallel_loop3A_441 : f32 to vector<16xf32>
        %parallel_loop3A_604 = arith.mulf %parallel_loop3A_603, %get3A_164 : vector<16xf32>
        %parallel_loop3A_605 = arith.addf %parallel_loop3A_602, %parallel_loop3A_604 : vector<16xf32>
        %parallel_loop3A_606 = vector.broadcast %parallel_loop3A_443 : f32 to vector<16xf32>
        %parallel_loop3A_607 = arith.mulf %parallel_loop3A_606, %get3A_176 : vector<16xf32>
        %parallel_loop3A_608 = arith.addf %parallel_loop3A_605, %parallel_loop3A_607 : vector<16xf32>
        %parallel_loop3A_609 = vector.broadcast %parallel_loop3A_445 : f32 to vector<16xf32>
        %parallel_loop3A_610 = arith.mulf %parallel_loop3A_609, %get3A_188 : vector<16xf32>
        %parallel_loop3A_611 = arith.addf %parallel_loop3A_608, %parallel_loop3A_610 : vector<16xf32>
        %parallel_loop3A_612 = arith.index_cast %parallel_loop3A_409 : i32 to index
        %parallel_loop3A_613 = arith.constant 32 : index
        %parallel_loop3A_614 = tpu.vector_load %arg8[%parallel_loop3A_612, %parallel_loop3A_613] {strides = array<i32>} : memref<640x64xf32, #tpu.memory_space<vmem>>, vector<1x16xf32>,
        %parallel_loop3A_615 = vector.shape_cast %parallel_loop3A_614 : vector<1x16xf32> to vector<16xf32>
        %parallel_loop3A_616 = vector.shape_cast %parallel_loop3A_611 : vector<16xf32> to vector<1x16xf32>
        tpu.vector_store %arg8[%parallel_loop3A_612, %parallel_loop3A_613], %parallel_loop3A_616 {strides = array<i32>} : memref<640x64xf32, #tpu.memory_space<vmem>>, vector<1x16xf32>,
        %parallel_loop3A_617 = arith.index_cast %parallel_loop3A_409 : i32 to index
        %parallel_loop3A_618 = arith.constant 48 : index
        %parallel_loop3A_619 = tpu.vector_load %arg8[%parallel_loop3A_617, %parallel_loop3A_618] {strides = array<i32>} : memref<640x64xf32, #tpu.memory_space<vmem>>, vector<1x16xf32>,
        %parallel_loop3A_620 = vector.shape_cast %parallel_loop3A_619 : vector<1x16xf32> to vector<16xf32>
        %parallel_loop3A_621 = vector.broadcast %parallel_loop3A_415 : f32 to vector<16xf32>
        %parallel_loop3A_622 = arith.mulf %parallel_loop3A_621, %get3A_11 : vector<16xf32>
        %parallel_loop3A_623 = arith.addf %parallel_loop3A_620, %parallel_loop3A_622 : vector<16xf32>
        %parallel_loop3A_624 = vector.broadcast %parallel_loop3A_417 : f32 to vector<16xf32>
        %parallel_loop3A_625 = arith.mulf %parallel_loop3A_624, %get3A_23 : vector<16xf32>
        %parallel_loop3A_626 = arith.addf %parallel_loop3A_623, %parallel_loop3A_625 : vector<16xf32>
        %parallel_loop3A_627 = vector.broadcast %parallel_loop3A_419 : f32 to vector<16xf32>
        %parallel_loop3A_628 = arith.mulf %parallel_loop3A_627, %get3A_35 : vector<16xf32>
        %parallel_loop3A_629 = arith.addf %parallel_loop3A_626, %parallel_loop3A_628 : vector<16xf32>
        %parallel_loop3A_630 = vector.broadcast %parallel_loop3A_421 : f32 to vector<16xf32>
        %parallel_loop3A_631 = arith.mulf %parallel_loop3A_630, %get3A_47 : vector<16xf32>
        %parallel_loop3A_632 = arith.addf %parallel_loop3A_629, %parallel_loop3A_631 : vector<16xf32>
        %parallel_loop3A_633 = vector.broadcast %parallel_loop3A_423 : f32 to vector<16xf32>
        %parallel_loop3A_634 = arith.mulf %parallel_loop3A_633, %get3A_59 : vector<16xf32>
        %parallel_loop3A_635 = arith.addf %parallel_loop3A_632, %parallel_loop3A_634 : vector<16xf32>
        %parallel_loop3A_636 = vector.broadcast %parallel_loop3A_425 : f32 to vector<16xf32>
        %parallel_loop3A_637 = arith.mulf %parallel_loop3A_636, %get3A_71 : vector<16xf32>
        %parallel_loop3A_638 = arith.addf %parallel_loop3A_635, %parallel_loop3A_637 : vector<16xf32>
        %parallel_loop3A_639 = vector.broadcast %parallel_loop3A_427 : f32 to vector<16xf32>
        %parallel_loop3A_640 = arith.mulf %parallel_loop3A_639, %get3A_83 : vector<16xf32>
        %parallel_loop3A_641 = arith.addf %parallel_loop3A_638, %parallel_loop3A_640 : vector<16xf32>
        %parallel_loop3A_642 = vector.broadcast %parallel_loop3A_429 : f32 to vector<16xf32>
        %parallel_loop3A_643 = arith.mulf %parallel_loop3A_642, %get3A_95 : vector<16xf32>
        %parallel_loop3A_644 = arith.addf %parallel_loop3A_641, %parallel_loop3A_643 : vector<16xf32>
        %parallel_loop3A_645 = vector.broadcast %parallel_loop3A_431 : f32 to vector<16xf32>
        %parallel_loop3A_646 = arith.mulf %parallel_loop3A_645, %get3A_107 : vector<16xf32>
        %parallel_loop3A_647 = arith.addf %parallel_loop3A_644, %parallel_loop3A_646 : vector<16xf32>
        %parallel_loop3A_648 = vector.broadcast %parallel_loop3A_433 : f32 to vector<16xf32>
        %parallel_loop3A_649 = arith.mulf %parallel_loop3A_648, %get3A_119 : vector<16xf32>
        %parallel_loop3A_650 = arith.addf %parallel_loop3A_647, %parallel_loop3A_649 : vector<16xf32>
        %parallel_loop3A_651 = vector.broadcast %parallel_loop3A_435 : f32 to vector<16xf32>
        %parallel_loop3A_652 = arith.mulf %parallel_loop3A_651, %get3A_131 : vector<16xf32>
        %parallel_loop3A_653 = arith.addf %parallel_loop3A_650, %parallel_loop3A_652 : vector<16xf32>
        %parallel_loop3A_654 = vector.broadcast %parallel_loop3A_437 : f32 to vector<16xf32>
        %parallel_loop3A_655 = arith.mulf %parallel_loop3A_654, %get3A_143 : vector<16xf32>
        %parallel_loop3A_656 = arith.addf %parallel_loop3A_653, %parallel_loop3A_655 : vector<16xf32>
        %parallel_loop3A_657 = vector.broadcast %parallel_loop3A_439 : f32 to vector<16xf32>
        %parallel_loop3A_658 = arith.mulf %parallel_loop3A_657, %get3A_155 : vector<16xf32>
        %parallel_loop3A_659 = arith.addf %parallel_loop3A_656, %parallel_loop3A_658 : vector<16xf32>
        %parallel_loop3A_660 = vector.broadcast %parallel_loop3A_441 : f32 to vector<16xf32>
        %parallel_loop3A_661 = arith.mulf %parallel_loop3A_660, %get3A_167 : vector<16xf32>
        %parallel_loop3A_662 = arith.addf %parallel_loop3A_659, %parallel_loop3A_661 : vector<16xf32>
        %parallel_loop3A_663 = vector.broadcast %parallel_loop3A_443 : f32 to vector<16xf32>
        %parallel_loop3A_664 = arith.mulf %parallel_loop3A_663, %get3A_179 : vector<16xf32>
        %parallel_loop3A_665 = arith.addf %parallel_loop3A_662, %parallel_loop3A_664 : vector<16xf32>
        %parallel_loop3A_666 = vector.broadcast %parallel_loop3A_445 : f32 to vector<16xf32>
        %parallel_loop3A_667 = arith.mulf %parallel_loop3A_666, %get3A_191 : vector<16xf32>
        %parallel_loop3A_668 = arith.addf %parallel_loop3A_665, %parallel_loop3A_667 : vector<16xf32>
        %parallel_loop3A_669 = arith.index_cast %parallel_loop3A_409 : i32 to index
        %parallel_loop3A_670 = arith.constant 48 : index
        %parallel_loop3A_671 = tpu.vector_load %arg8[%parallel_loop3A_669, %parallel_loop3A_670] {strides = array<i32>} : memref<640x64xf32, #tpu.memory_space<vmem>>, vector<1x16xf32>,
        %parallel_loop3A_672 = vector.shape_cast %parallel_loop3A_671 : vector<1x16xf32> to vector<16xf32>
        %parallel_loop3A_673 = vector.shape_cast %parallel_loop3A_668 : vector<16xf32> to vector<1x16xf32>
        tpu.vector_store %arg8[%parallel_loop3A_669, %parallel_loop3A_670], %parallel_loop3A_673 {strides = array<i32>} : memref<640x64xf32, #tpu.memory_space<vmem>>, vector<1x16xf32>,
      } {sc.loop_unroll_factor = 2 : i64, sc.parallel_access}
      "tpu.region"() ({
        %run_scoped3A = tpu.sem_alloc : memref<!tpu.dma_semaphore, #tpu.memory_space<semaphore_mem>>
        %dma_start3A_409 = arith.constant 0 : i32
        %dma_start3A_410 = tpu.memref_slice %arg6[%add3A_204, %dma_start3A_409] : memref<204800x64xf32, #tpu.memory_space<hbm>> -> memref<640x64xf32, #tpu.memory_space<hbm>>
        %dma_start3A_411 = arith.constant 0 : i32
        %dma_start3A_412 = tpu.memref_slice %arg6[%add3A_204, %dma_start3A_411] : memref<204800x64xf32, #tpu.memory_space<hbm>> -> memref<640x64xf32, #tpu.memory_space<hbm>>
        tpu.enqueue_dma source(%arg8 : memref<640x64xf32, #tpu.memory_space<vmem>>) target(%dma_start3A_412 : memref<640x64xf32, #tpu.memory_space<hbm>>) target_semaphore(%run_scoped3A : memref<!tpu.dma_semaphore, #tpu.memory_space<semaphore_mem>>)
        %dma_wait3A_413 = arith.constant 0 : i32
        %dma_wait3A_414 = tpu.memref_slice %arg6[%add3A_204, %dma_wait3A_413] : memref<204800x64xf32, #tpu.memory_space<hbm>> -> memref<640x64xf32, #tpu.memory_space<hbm>>
        %dma_wait3A_415 = arith.constant 0 : i32
        %dma_wait3A_416 = tpu.memref_slice %arg6[%add3A_204, %dma_wait3A_415] : memref<204800x64xf32, #tpu.memory_space<hbm>> -> memref<640x64xf32, #tpu.memory_space<hbm>>
        tpu.wait_dma2 semaphore(%run_scoped3A : memref<!tpu.dma_semaphore, #tpu.memory_space<semaphore_mem>>) src(%arg8 : memref<640x64xf32, #tpu.memory_space<vmem>>) dst(%dma_wait3A_416 : memref<640x64xf32, #tpu.memory_space<hbm>>)
        tpu.yield
      }) : () -> ()
      %scan3A_408 = arith.constant 0 : i32
      scf.yield %scan3A_408 : i32
    }
    %scan3A_197 = arith.constant 10 : i32
    return
  }
}

</mosaic_0001>

<sc_bundles>
// kernel: kernel.3.cloned.1.call-start
scs
__scs_entry_jumppad:
0x0: {  	(pc) =	sbr.rel $0x88, $3  }
0x1: {  	(tag) =	ssettag $0x0;
	lr =	simm.s32 $0x1  }
0x2: {  	[smem:$0x3F9D] =	sst lr;
	_ =	strace $0xD0000000  }
0x3: {  	_ = 	snop  }
0x4: {  	_ = 	snop  }
0x5: {  	_ = 	snop  }
0x6: {  	_ = 	snop  }
0x7: {  	_ = 	snop  }
__scs_overlays_trampoline_lowered:
0x8: {  	[smem:$0x3FAC] =	sst s0  }
0x9: {  	[smem:$0x3FAD] =	sst s1  }
0xa: {  	[smem:$0x3FAE] =	sst s2  }
0xb: {  	[smem:$0x3FAF] =	sst s3  }
0xc: {  	[smem:$0x3FB0] =	sst s4  }
0xd: {  	[smem:$0x3FB1] =	sst s5  }
0xe: {  	[smem:$0x3FB2] =	sst s6  }
0xf: {  	[smem:$0x3FB3] =	sst s7  }
0x10: {  	[smem:$0x3FB4] =	sst s8  }
0x11: {  	[smem:$0x3FB5] =	sst s9;
	s0 =	simm.s32 @!p0 $0x0  }
0x12: {  	s1 =	sld [smem:$0x3F9B];
	s0 =	simm.s32 @p0 $0x1  }
0x13: {  	[smem:$0x3FB6] =	sst s0;
	s0 =	simm.s32 @!p1 $0x0  }
0x14: {  	s2 =	sld [smem:$0x3F9A];
	s0 =	simm.s32 @p1 $0x1  }
0x15: {  	[smem:$0x3FB7] =	sst s0;
	s0 =	simm.s32 @!p2 $0x0  }
0x16: {  	s3 =	sld [smem:$0x3FDB];
	s0 =	simm.s32 @p2 $0x1  }
0x17: {  	s4 =	simm.s32 $0x1BF5;
	[smem:$0x3FB9] =	sst s0  }
0x18: {  	s0 =	sld [smem:$0x3F9C];
	_ =	swait.ge [sflag:s4], $0x0  }
0x19: {  	s7 =	sld [smem:$0x3F9D]  }
0x1a: {  	s8 =	sadd.s32 $0xFFFFE003, lr  }
0x1b: {  	s9 =	sadd.s32 $0xFFFFFEF7, lr;
	s5 =	simm.s32 $0xFFFFFFFF;
	p2 =	slt.u32 s8, $0xFFFFF086  }
0x1c: {  	p1 =	slt.u32 s9, $0xF7A;
	s5 =	simm.s32 @!p2 $0x0  }
0x1d: {  	s5 =	simm.s32 @p1 $0x1;
	p0 =	seq.s32 s7, s2  }
0x1e: {  	s7 =	smul.u32 @!p0 $0xF7A, s2;
	p2 =	seq.s32 @!p0 s5, $0x0  }
0x1f: {  	s9 =	smul.u32 $0xF7A, s1;
	s8 =	simm.s32 @!p0 $0x1BF5;
	p2 =	por !p2, p0  }
0x20: {  	[sflag:s8] =	ssyncset.s32 @!p0 $0xFFFFF086;
	s6 =	sadd.s32 @!p0 s3, s7;
	s7 =	simm.s32 @!p0 $0x108  }
0x21: {  	s3 =	sadd.s32 s3, s9;
	s6 =	sadd.s32 @!p0 $0x88, s6;
	s7 =	simm.s32 @p2 $0x1082  }
0x22: {  	[simem:s7], [sflag:s8] =	dma.local @!p0 [hbm:s6], $0xF7A  }
0x23: {  	s9 =	sor.u32 $0xD0000000, s2;
	s6 =	simm.s32 $0x108;
	_ =	swait.ge @!p0 [sflag:s8], $0x0  }
0x24: {  	s3 =	sadd.s32 $0x88, s3;
	s6 =	simm.s32 @!p1 $0x1082;
	[sflag:s4] =	ssyncset.s32 $0xFFFFF086  }
0x25: {  	[simem:s6], [sflag:s4] =	dma.local [hbm:s3], $0xF7A  }
0x26: {  	[smem:$0x3F9D] =	sst s1;
	(tag) =	ssettag s2;
	_ =	strace s9  }
0x27: {  	s1 =	sld [smem:$0x3FAD]  }
0x28: {  	s2 =	sld [smem:$0x3FAE]  }
0x29: {  	s4 =	sld [smem:$0x3FB0]  }
0x2a: {  	p0 =	seq.s32 s5, $0x0;
	s5 =	sld [smem:$0x3FB1]  }
0x2b: {  	s6 =	sld [smem:$0x3FB2]  }
0x2c: {  	s7 =	sld [smem:$0x3FB3]  }
0x2d: {  	s3 =	simm.s32 $0x108;
	s8 =	sld [smem:$0x3FB4]  }
0x2e: {  	s3 =	simm.s32 @!p0 $0x1082;
	s9 =	sld [smem:$0x3FB5]  }
0x2f: {  	lr =	sadd.s32 s0, s3;
	s0 =	sld [smem:$0x3FAC]  }
0x30: {  	s3 =	sld [smem:$0x3FAF]  }
0x31: {  	[smem:$0x3FB8] =	sst s10  }
0x32: {  	s10 =	sld [smem:$0x3FB6];
	_ =	sdelay $0x3  }
0x33: {  	p0 =	seq.s32 s10, $0x1;
	s10 =	sld [smem:$0x3FB8];
	_ =	sdelay $0x3  }
0x34: {  	[smem:$0x3FB8] =	sst s10  }
0x35: {  	s10 =	sld [smem:$0x3FB7];
	_ =	sdelay $0x3  }
0x36: {  	p1 =	seq.s32 s10, $0x1;
	s10 =	sld [smem:$0x3FB8];
	_ =	sdelay $0x3  }
0x37: {  	[smem:$0x3FB8] =	sst s10  }
0x38: {  	s10 =	sld [smem:$0x3FB9]  }
0x39: {  	_ = 	snop;
	(pc) =	sbr.ind lr, $3  }
0x3a: {  	_ = 	snop  }
0x3b: {  	_ = 	snop  }
0x3c: {  	p2 =	seq.s32 s10, $0x1;
	s10 =	sld [smem:$0x3FB8]  }
0x3d: {  	_ =	shalt  }
0x3e: {  	_ =	shalt  }
0x3f: {  	_ =	shalt  }
0x40: {  	_ =	shalt  }
0x41: {  	_ =	shalt  }
0x42: {  	_ =	shalt  }
0x43: {  	_ =	shalt  }
0x44: {  	_ =	shalt  }
0x45: {  	_ =	shalt  }
0x46: {  	_ =	shalt  }
0x47: {  	_ =	shalt  }
0x48: {  	_ =	shalt  }
0x49: {  	_ =	shalt  }
0x4a: {  	_ =	shalt  }
0x4b: {  	_ =	shalt  }
0x4c: {  	_ =	shalt  }
0x4d: {  	_ =	shalt  }
0x4e: {  	_ =	shalt  }
0x4f: {  	_ =	shalt  }
0x50: {  	_ =	shalt  }
0x51: {  	_ =	shalt  }
0x52: {  	_ =	shalt  }
0x53: {  	_ =	shalt  }
0x54: {  	_ =	shalt  }
0x55: {  	_ =	shalt  }
0x56: {  	_ =	shalt  }
0x57: {  	_ =	shalt  }
0x58: {  	_ =	shalt  }
0x59: {  	_ =	shalt  }
0x5a: {  	_ =	shalt  }
0x5b: {  	_ =	shalt  }
0x5c: {  	_ =	shalt  }
0x5d: {  	_ =	shalt  }
0x5e: {  	_ =	shalt  }
0x5f: {  	_ =	shalt  }
0x60: {  	_ =	shalt  }
0x61: {  	_ =	shalt  }
0x62: {  	_ =	shalt  }
0x63: {  	_ =	shalt  }
0x64: {  	_ =	shalt  }
0x65: {  	_ =	shalt  }
0x66: {  	_ =	shalt  }
0x67: {  	_ =	shalt  }
0x68: {  	_ =	shalt  }
0x69: {  	_ =	shalt  }
0x6a: {  	_ =	shalt  }
0x6b: {  	_ =	shalt  }
0x6c: {  	_ =	shalt  }
0x6d: {  	_ =	shalt  }
0x6e: {  	_ =	shalt  }
0x6f: {  	_ =	shalt  }
0x70: {  	_ =	shalt  }
0x71: {  	_ =	shalt  }
0x72: {  	_ =	shalt  }
0x73: {  	_ =	shalt  }
0x74: {  	_ =	shalt  }
0x75: {  	_ =	shalt  }
0x76: {  	_ =	shalt  }
0x77: {  	_ =	shalt  }
0x78: {  	_ =	shalt  }
0x79: {  	_ =	shalt  }
0x7a: {  	_ =	shalt  }
0x7b: {  	_ =	shalt  }
0x7c: {  	_ =	shalt  }
0x7d: {  	_ =	shalt  }
0x7e: {  	_ =	shalt  }
0x7f: {  	_ =	shalt  }
0x80: {  	_ =	shalt  }
0x81: {  	_ =	shalt  }
0x82: {  	_ =	shalt  }
0x83: {  	_ =	shalt  }
0x84: {  	_ =	shalt  }
0x85: {  	_ =	shalt  }
0x86: {  	_ =	shalt  }
0x87: {  	_ =	shalt  }
.Lfunc_end0:
.L_simem_size_0:
called_computation.1_lowered:
.L_overlay_start_0:
0x88: {  	s2 =	sld [smem:$0x3FD9]  }
0x89: {  	s3 =	sld [smem:$0x3FFE];
	_ =	sdelay $0x1  }
0x8a: {  	s1 =	srdreg.scid  }
0x8b: {  	s0 =	sand.u32 $0x1, s1  }
0x8c: {  	s17 =	sshll.u32 s0, $0xA;
	s2 =	sadd.s32 s3, s2  }
0x8d: {  	s2 =	sadd.s32 s2, s17  }
0x8e: {  	[smem:$0x3FC4] =	sst s2  }
0x8f: {  	_ = 	snop  }
0x90: {  	s2 =	sld [smem:$0x3FD0];
	(tm) =	ssettm $0x1  }
0x91: {  	s18 =	sld [smem:$0x3FFB];
	_ =	sdelay $0x3  }
0x92: {  	_ =	strace s18  }
0x93: {  	s3 =	sld [smem:$0x3FFC];
	_ =	sdelay $0x3  }
0x94: {  	_ =	strace s3  }
0x95: {  	s3 =	sld [smem:$0x3FFD];
	_ =	sdelay $0x3  }
0x96: {  	_ =	strace s3  }
0x97: {  	_ =	strace $0x8FFFFFFF  }
0x98: {  	s19 =	sld [smem:$0x3FDB];
	_ =	sdelay $0x1  }
0x99: {  	s4 =	simm.s32 $_scs_section_size  }
0x9a: {  	s5 =	simm.s32 $_size__tile_overlayer_lowered;
	s6 =	simm.s32 $_tile_overlayer_lowered  }
0x9b: {  	s22 =	simm.s32 $0x1BFF;
	s21 =	sshll.u32 s6, $0x1;
	s3 =	sadd.s32 s4, s19  }
0x9c: {  	s7 =	simm.s32 $0x0;
	s20 =	sshll.u32 s5, $0x1;
	s5 =	sadd.s32 s21, s3  }
0x9d: {  	[timem:s7], [sflag:s22] =	dma.local [hbm:s5], s20  }
0x9e: {  	_ =	swait.ge [sflag:s22], s20  }
0x9f: {  	s4 =	ssub.s32 $0x0, s20;
	[sflag:s22] =	ssyncset.done $0x0  }
0xa0: {  	[sflag:s22] =	ssyncadd.s32 s4;
	_ =	sdelay $0x1  }
0xa1: {  	s23 =	simm.s32 $0x1B8B  }
0xa2: {  	_ =	swait.ge [sflag:s23], $0x1  }
0xa3: {  	[sflag:s23] =	ssyncset.done $0x0  }
0xa4: {  	s25 =	simm.s32 $0x1B8E;
	s24 =	sld [smem:$0x3FFE];
	[sflag:s23] =	ssyncadd.s32 $0xFFFFFFFF  }
0xa5: {  	s26 =	simm.s32 $execute0_lowered;
	[smem:$0x3FD2] =	sst s25  }
0xa6: {  	s5 =	sshll.u32 s26, $0x1;
	_ =	strace $0x80000046;
	[dreg:$0x1] =	wrdreg $0xFFFFFFFF  }
0xa7: {  	s28 =	simm.s32 $_size_execute0_lowered;
	s3 =	sadd.s32 s3, s5;
	[dreg:$0x0] =	wrdreg $0x0  }
0xa8: {  	s5 =	sshll.u32 s28, $0x1;
	[dreg:$0x2] =	wrdreg s3  }
0xa9: {  	[dreg:$0x3] =	wrdreg s5  }
0xaa: {  	[dreg:$0x4] =	wrdreg $0xC0  }
0xab: {  	_ =	task [dreg:s7], $0x5FFFF  }
0xac: {  	[dreg:$0x1] =	wrdreg $0xFFFFFFFF  }
0xad: {  	[dreg:$0x0] =	wrdreg $0x60  }
0xae: {  	[dreg:$0x2] =	wrdreg s24  }
0xaf: {  	[dreg:$0x3] =	wrdreg s2  }
0xb0: {  	[dreg:$0x4] =	wrdreg $0x9  }
0xb1: {  	_ =	task.clear_ibuf [dreg:s7], $0x5FFFF;
	_ =	strace $0x90000046  }
0xb2: {  	s29 =	simm.s32 $0x9;
	_ =	strace $0x80000048  }
0xb3: {  	_ =	swait.ge [sflag:s29], $0x1  }
0xb4: {  	[sflag:s29] =	ssyncadd.s32 $0xFFFFFFFF  }
0xb5: {  	_ =	strace $0x90000048  }
0xb6: {  	_ =	sfence  }
0xb7: {  	s30 =	sld [smem:$0x0];
	_ =	sdelay $0x2  }
0xb8: {  	s31 =	sshll.u32 s1, $0xD;
	s1 =	sshrl.u32 s1, $0x2  }
0xb9: {  	s3 =	sand.u32 $0x4000, s31;
	s1 =	sadd.s32 s1, s30  }
0xba: {  	s0 =	sor.u32 s3, s0;
	s1 =	sshll.u32 s1, $0x11  }
0xbb: {  	s0 =	sor.u32 s1, s0  }
0xbc: {  	s0 =	sadd.s32 $0x8F2B, s0  }
0xbd: {  	[sflag:s0] =	ssyncadd.remote.s32 $0x1  }
0xbe: {  	_ =	sfence.sel $0xFFFF  }
0xbf: {  	[dreg:$0x0] =	wrdreg $0xFFFFFFFF;
	(pc) =	sbr.abs _section_cstart, $3  }
0xc0: {  	[dreg:$0x1] =	wrdreg $0xFFFFFFFF  }
0xc1: {  	_ =	task.clear_ibuf [dreg:s7], $0x2FFFF;
	_ =	strace $0x9FFFFFFF  }
0xc2: {  	(tm) =	ssettm $0x7FFFFFFF  }
0xc3: {  	_ =	shalt  }
tec
execute0_lowered:
.L_overlay_start_1:
0x0: {  	(tag) =	ssettag $0x1  }
0x1: {  	s0 =	rddreg [dreg:$0x0]  }
0x2: {  	s1 =	rddreg [dreg:$0x1];
	s2 =	simm.s32 $0x0;
	s3 =	srdreg.scid  }
0x3: {  	s6 =	stileid.u32;
	s12 =	simm.s32 $0x2;
	s13 =	simm.s32 $0x80  }
0x4: {  	s14 =	simm.s32 $0x280;
	s15 =	simm.s32 $0xA280;
	s16 =	simm.s32 $0x2280  }
0x5: {  	s17 =	simm.s32 $0xAA80;
	s18 =	simm.s32 $0x100;
	s19 =	simm.s32 $0x4280  }
0x6: {  	s20 =	simm.s32 $0xB280;
	s21 =	simm.s32 $0x180;
	s22 =	simm.s32 $0x6280  }
0x7: {  	s23 =	simm.s32 $0xBA80;
	s24 =	simm.s32 $0x200;
	s25 =	simm.s32 $0x8280  }
0x8: {  	s26 =	simm.s32 $0xC280;
	s28 =	simm.s32 $0x1;
	s29 =	simm.s32 $0x0  }
0x9: {  	[smem:$0x7FF] =	sst s2;
	s4 =	sadd.s32 $0xC00, s0;
	s3 =	sand.u32 $0x1, s3  }
0xa: {  	s5 =	sadd.s32 $0xF43000, s0;
	s7 =	ssub.s32 $0x2, s3;
	s3 =	sshll.u32 s3, $0x4  }
0xb: {  	_ =	strace $0x80000047;
	s8 =	sshrl.u32 s7, $0x1;
	s3 =	sor.u32 s6, s3  }
0xc: {  	s6 =	sadd.s32 $0x16E4200, s0;
	s10 =	ssub.s32 s7, s8;
	s7 =	smul.u32 $0x1900, s3  }
0xd: {  	s8 =	sadd.s32 $0x7000, s0;
	s9 =	smul.u32 $0xA, s3;
	s10 =	smax.u32 s10, $0x1  }
.LBB2_1:
0xe: {  	s0 =	simm.s32 $0xCA80  }
0xf: {  	[tilespmem:s0], [sflag:$0x2] =	stream.linear.gather [hbm4b:s8+s2], $0x400, $0x38;
	[tilespmem:$0xCE80] =	vst v63  }
0x10: {  	_ =	swait.ge [sflag:s12], $0x400  }
0x11: {  	[sflag:s12] =	ssyncset.done $0x0  }
0x12: {  	[sflag:s12] =	ssyncadd.s32 $0xFFFFFC00  }
0x13: {  	v21 =	vld [tilespmem:$0xCA80]  }
0x14: {  	v22 =	vld [tilespmem:$0xCA90]  }
0x15: {  	v23 =	vld [tilespmem:$0xCAA0]  }
0x16: {  	v20 =	vld [tilespmem:$0xCAB0]  }
0x17: {  	v24 =	vld [tilespmem:$0xCAC0]  }
0x18: {  	v25 =	vld [tilespmem:$0xCAD0]  }
0x19: {  	v26 =	vld [tilespmem:$0xCAE0]  }
0x1a: {  	v0 =	vld [tilespmem:$0xCAF0]  }
0x1b: {  	v49 =	vld [tilespmem:$0xCB00]  }
0x1c: {  	v29 =	vld [tilespmem:$0xCB10]  }
0x1d: {  	v39 =	vld [tilespmem:$0xCB20]  }
0x1e: {  	v50 =	vld [tilespmem:$0xCB30]  }
0x1f: {  	v51 =	vld [tilespmem:$0xCB40]  }
0x20: {  	v52 =	vld [tilespmem:$0xCB50]  }
0x21: {  	v53 =	vld [tilespmem:$0xCB60]  }
0x22: {  	v43 =	vld [tilespmem:$0xCB70]  }
0x23: {  	v35 =	vld [tilespmem:$0xCB80]  }
0x24: {  	v36 =	vld [tilespmem:$0xCB90]  }
0x25: {  	v40 =	vld [tilespmem:$0xCBA0]  }
0x26: {  	v38 =	vld [tilespmem:$0xCBB0]  }
0x27: {  	v34 =	vld [tilespmem:$0xCBC0]  }
0x28: {  	v45 =	vld [tilespmem:$0xCBD0]  }
0x29: {  	v46 =	vld [tilespmem:$0xCBE0]  }
0x2a: {  	v47 =	vld [tilespmem:$0xCBF0]  }
0x2b: {  	v32 =	vld [tilespmem:$0xCC00]  }
0x2c: {  	v48 =	vld [tilespmem:$0xCC10]  }
0x2d: {  	v30 =	vld [tilespmem:$0xCC40]  }
0x2e: {  	v57 =	vld [tilespmem:$0xCC80];
	[tilespmem:$0x1FDB0] =	vst v0  }
0x2f: {  	v54 =	vld [tilespmem:$0xCD80];
	[tilespmem:$0x1FDC0] =	vst v49  }
0x30: {  	v8 =	vld [tilespmem:$0xCD90];
	[tilespmem:$0x1FDD0] =	vst v50  }
0x31: {  	v9 =	vld [tilespmem:$0xCDA0];
	[tilespmem:$0x1FDE0] =	vst v51  }
0x32: {  	v10 =	vld [tilespmem:$0xCDC0];
	[tilespmem:$0x1FDF0] =	vst v52  }
0x33: {  	v11 =	vld [tilespmem:$0xCDD0];
	[tilespmem:$0x1FE00] =	vst v53  }
0x34: {  	v12 =	vld [tilespmem:$0xCDE0];
	[tilespmem:$0x1FE10] =	vst v54  }
0x35: {  	v13 =	vld [tilespmem:$0xCDF0];
	[tilespmem:$0x1FE20] =	vst v8  }
0x36: {  	v14 =	vld [tilespmem:$0xCE00];
	[tilespmem:$0x1FE30] =	vst v9  }
0x37: {  	v15 =	vld [tilespmem:$0xCE10];
	[tilespmem:$0x1FE40] =	vst v10  }
0x38: {  	v37 =	vld [tilespmem:$0xCE20];
	[tilespmem:$0x1FE50] =	vst v11  }
0x39: {  	v41 =	vld [tilespmem:$0xCE30];
	[tilespmem:$0x1FE60] =	vst v12  }
0x3a: {  	v42 =	vld [tilespmem:$0xCE40];
	[tilespmem:$0x1FE70] =	vst v13  }
0x3b: {  	v44 =	vld [tilespmem:$0xCE70];
	[tilespmem:$0x1FE80] =	vst v14  }
0x3c: {  	v31 =	vld [tilespmem:$0xCC90];
	[tilespmem:$0x1FE90] =	vst v15  }
0x3d: {  	v55 =	vld [tilespmem:$0xCCA0];
	[tilespmem:$0x1FEA0] =	vst v37  }
0x3e: {  	v56 =	vld [tilespmem:$0xCCB0];
	[tilespmem:$0x1FEB0] =	vst v41  }
0x3f: {  	v58 =	vld [tilespmem:$0xCCD0];
	[tilespmem:$0x1FEC0] =	vst v42  }
0x40: {  	v33 =	vld [tilespmem:$0xCCC0];
	[tilespmem:$0x1FED0] =	vst v44  }
0x41: {  	v59 =	vld [tilespmem:$0xCCE0];
	[tilespmem:$0x1FEE0] =	vst v20  }
0x42: {  	v19 =	vld [tilespmem:$0xCD00];
	[tilespmem:$0x1FEF0] =	vst v57  }
0x43: {  	v60 =	vld [tilespmem:$0xCCF0];
	[tilespmem:$0x1FF00] =	vst v21  }
0x44: {  	v63 =	vld [tilespmem:$0xCD20];
	[tilespmem:$0x1FF10] =	vst v58  }
0x45: {  	v61 =	vld [tilespmem:$0xCD10];
	[tilespmem:$0x1FF20] =	vst v30  }
0x46: {  	v18 =	vld [tilespmem:$0xCD40];
	[tilespmem:$0x1FF30] =	vst v22  }
0x47: {  	v62 =	vld [tilespmem:$0xCD30];
	[tilespmem:$0x1FF40] =	vst v19  }
0x48: {  	v1 =	vld [tilespmem:$0xCE60];
	[tilespmem:$0x1FF50] =	vst v31  }
0x49: {  	v3 =	vld [tilespmem:$0xCD50];
	[tilespmem:$0x1FF60] =	vst v63  }
0x4a: {  	v4 =	vld [tilespmem:$0xCD60];
	[tilespmem:$0x1FF70] =	vst v32  }
0x4b: {  	v5 =	vld [tilespmem:$0xCD70];
	[tilespmem:$0x1FF80] =	vst v18  }
0x4c: {  	v10 =	vld [tilespmem:$0xCE50];
	[tilespmem:$0x1FF90] =	vst v23  }
0x4d: {  	v54 =	vld [tilespmem:$0xCDB0];
	[tilespmem:$0x1FFA0] =	vst v1  }
0x4e: {  	v49 =	vld [tilespmem:$0xCC20];
	[tilespmem:$0x1FFD0] =	vst v3  }
0x4f: {  	v50 =	vld [tilespmem:$0xCC30];
	[tilespmem:$0x1FFE0] =	vst v4  }
0x50: {  	v51 =	vld [tilespmem:$0xCC50];
	[tilespmem:$0x1FFF0] =	vst v5  }
0x51: {  	v52 =	vld [tilespmem:$0xCC60];
	[tilespmem:$0x1FFB0] =	vst v10  }
0x52: {  	s30 =	simm.s32 $0x0;
	v53 =	vld [tilespmem:$0xCC70];
	[tilespmem:$0x1FFC0] =	vst v54  }
.LBB2_2:
0x53: {  	s0 =	sadd.s32 s9, s30  }
0x54: {  	s0 =	smul.u32 $0x50, s0;
	_ =	sdelay $0x1  }
0x55: {  	s0 =	sadd.s32 s4, s0  }
0x56: {  	[tilespmem:s2], [sflag:$0x2] =	stream.linear.gather [hbm4b:s0+s2], $0x280, $0x38;
	[tilespmem:$0xCE80] =	vst v63  }
0x57: {  	_ =	swait.ge [sflag:s12], $0x280  }
0x58: {  	[sflag:s12] =	ssyncset.done $0x0  }
0x59: {  	[sflag:s12] =	ssyncadd.s32 $0xFFFFFD80  }
0x5a: {  	[tilespmem:s14], [sflag:$0x1] =	stream.indirect.gather [hbm4b:s5+s13], $0x40, s2, s13, $0xb8;
	[tilespmem:$0xCE80] =	vst v63  }
0x5b: {  	_ = 	snop  }
0x5c: {  	[tilespmem:s15], [sflag:$0x1] =	stream.indirect.gather [hbm4b:s6+s13], $0x10, s2, s13, $0xb8;
	[tilespmem:$0xCE80] =	vst v63  }
0x5d: {  	_ = 	snop  }
0x5e: {  	[tilespmem:s16], [sflag:$0x1] =	stream.indirect.gather [hbm4b:s5+s13], $0x40, s13, s13, $0xb8;
	[tilespmem:$0xCE80] =	vst v63  }
0x5f: {  	_ = 	snop  }
0x60: {  	[tilespmem:s17], [sflag:$0x1] =	stream.indirect.gather [hbm4b:s6+s13], $0x10, s13, s13, $0xb8;
	[tilespmem:$0xCE80] =	vst v63  }
0x61: {  	_ = 	snop  }
0x62: {  	[tilespmem:s19], [sflag:$0x1] =	stream.indirect.gather [hbm4b:s5+s13], $0x40, s18, s13, $0xb8;
	[tilespmem:$0xCE80] =	vst v63  }
0x63: {  	_ = 	snop  }
0x64: {  	[tilespmem:s20], [sflag:$0x1] =	stream.indirect.gather [hbm4b:s6+s13], $0x10, s18, s13, $0xb8;
	[tilespmem:$0xCE80] =	vst v63  }
0x65: {  	_ = 	snop  }
0x66: {  	[tilespmem:s22], [sflag:$0x1] =	stream.indirect.gather [hbm4b:s5+s13], $0x40, s21, s13, $0xb8;
	[tilespmem:$0xCE80] =	vst v63  }
0x67: {  	_ = 	snop  }
0x68: {  	[tilespmem:s23], [sflag:$0x1] =	stream.indirect.gather [hbm4b:s6+s13], $0x10, s21, s13, $0xb8;
	[tilespmem:$0xCE80] =	vst v63  }
0x69: {  	_ = 	snop  }
0x6a: {  	[tilespmem:s25], [sflag:$0x1] =	stream.indirect.gather [hbm4b:s5+s13], $0x40, s24, s13, $0xb8;
	[tilespmem:$0xCE80] =	vst v63  }
0x6b: {  	_ = 	snop  }
0x6c: {  	[tilespmem:s26], [sflag:$0x1] =	stream.indirect.gather [hbm4b:s6+s13], $0x10, s24, s13, $0xb8;
	[tilespmem:$0xCE80] =	vst v63  }
0x6d: {  	_ =	swait.ge [sflag:s28], $0x2000  }
0x6e: {  	[sflag:s28] =	ssyncset.done $0x0  }
0x6f: {  	[sflag:s28] =	ssyncadd.s32 $0xFFFFE000  }
0x70: {  	_ =	swait.ge [sflag:s28], $0x800  }
0x71: {  	[sflag:s28] =	ssyncset.done $0x0  }
0x72: {  	[sflag:s28] =	ssyncadd.s32 $0xFFFFF800  }
0x73: {  	_ =	swait.ge [sflag:s28], $0x2000  }
0x74: {  	[sflag:s28] =	ssyncset.done $0x0  }
0x75: {  	[sflag:s28] =	ssyncadd.s32 $0xFFFFE000  }
0x76: {  	_ =	swait.ge [sflag:s28], $0x800  }
0x77: {  	[sflag:s28] =	ssyncset.done $0x0  }
0x78: {  	[sflag:s28] =	ssyncadd.s32 $0xFFFFF800  }
0x79: {  	_ =	swait.ge [sflag:s28], $0x2000  }
0x7a: {  	[sflag:s28] =	ssyncset.done $0x0  }
0x7b: {  	[sflag:s28] =	ssyncadd.s32 $0xFFFFE000  }
0x7c: {  	_ =	swait.ge [sflag:s28], $0x800  }
0x7d: {  	[sflag:s28] =	ssyncset.done $0x0  }
0x7e: {  	[sflag:s28] =	ssyncadd.s32 $0xFFFFF800  }
0x7f: {  	_ =	swait.ge [sflag:s28], $0x2000  }
0x80: {  	[sflag:s28] =	ssyncset.done $0x0  }
0x81: {  	[sflag:s28] =	ssyncadd.s32 $0xFFFFE000  }
0x82: {  	_ =	swait.ge [sflag:s28], $0x800  }
0x83: {  	[sflag:s28] =	ssyncset.done $0x0  }
0x84: {  	[sflag:s28] =	ssyncadd.s32 $0xFFFFF800  }
0x85: {  	_ =	swait.ge [sflag:s28], $0x2000  }
0x86: {  	[sflag:s28] =	ssyncset.done $0x0  }
0x87: {  	[sflag:s28] =	ssyncadd.s32 $0xFFFFE000  }
0x88: {  	_ =	swait.ge [sflag:s28], $0x800  }
0x89: {  	[sflag:s28] =	ssyncset.done $0x0  }
0x8a: {  	s11 =	simm.s32 $0xA290;
	[sflag:s28] =	ssyncadd.s32 $0xFFFFF800  }
0x8b: {  	v0 =	vld [tilespmem:s11+$0xFFFFFFF0]  }
0x8c: {  	s31 =	simm.s32 $0x2C0;
	v15 =	vld [tilespmem:$0x1FDB0]  }
0x8d: {  	v10 =	vld [tilespmem:s31+$0xFFFFFFF0]  }
0x8e: {  	v1 =	vld [tilespmem:s11+$0x0]  }
0x8f: {  	v4 =	vld [tilespmem:s31+$0xFFFFFFC0]  }
0x90: {  	v2 =	vld [tilespmem:s31+$0x30];
	v7 =	vbroadcast v0, $0x0  }
0x91: {  	v9 =	vld [tilespmem:s31+$0xFFFFFFD0]  }
0x92: {  	v44 =	vld [tilespmem:s31+$0xFFFFFFE0];
	[tilespmem:$0x1FCB0] =	vst v10;
	v12 =	vmul.f32 v7, v21  }
0x93: {  	v10 =	vld [tilespmem:s31+$0x0]  }
0x94: {  	v3 =	vbroadcast v1, $0x0;
	v27 =	vadd.f32 v12, v4;
	v4 =	vld [tilespmem:$0x1FCB0]  }
0x95: {  	v41 =	vmov v5;
	v16 =	vld [tilespmem:$0x1FDD0];
	v5 =	vbroadcast v1, $0x1  }
0x96: {  	v6 =	vmul.f32 v3, v20;
	v13 =	vmul.f32 v7, v22  }
0x97: {  	v12 =	vmul.f32 v7, v23;
	v7 =	vmul.f32 v7, v20  }
0x98: {  	v11 =	vbroadcast v1, $0x2;
	v2 =	vadd.f32 v2, v6;
	v6 =	vmul.f32 v5, v15;
	[tilespmem:$0x1FCC0] =	vst v10  }
0x99: {  	v4 =	vadd.f32 v4, v7;
	v7 =	vld [tilespmem:$0x1FCC0]  }
0x9a: {  	v37 =	vbroadcast v1, $0x3;
	v2 =	vadd.f32 v2, v6;
	v6 =	vmul.f32 v11, v16  }
0x9b: {  	v8 =	vbroadcast v0, $0x1;
	v28 =	vbroadcast v1, $0x4;
	v42 =	vadd.f32 v9, v13;
	v14 =	vld [tilespmem:s31+$0x10]  }
0x9c: {  	v9 =	vmul.f32 v3, v21;
	v13 =	vld [tilespmem:s31+$0x20];
	v2 =	vadd.f32 v2, v6;
	v6 =	vmul.f32 v37, v43  }
0x9d: {  	v17 =	vbroadcast v1, $0x5;
	v10 =	vmul.f32 v3, v22  }
0x9e: {  	v2 =	vadd.f32 v2, v6;
	v6 =	vmul.f32 v28, v38;
	v7 =	vadd.f32 v9, v7  }
0x9f: {  	v44 =	vadd.f32 v44, v12;
	v3 =	vmul.f32 v3, v23;
	v12 =	vbroadcast v1, $0x6  }
0xa0: {  	v2 =	vadd.f32 v2, v6;
	v6 =	vmul.f32 v17, v47;
	[tilespmem:$0x1FCE0] =	vst v7;
	v7 =	vadd.f32 v14, v10  }
0xa1: {  	[tilespmem:$0x1FCD0] =	vst v4;
	v4 =	vmul.f32 v8, v24;
	v3 =	vadd.f32 v13, v3  }
0xa2: {  	v2 =	vadd.f32 v2, v6;
	v6 =	vmul.f32 v12, v50;
	[tilespmem:$0x1FCF0] =	vst v7;
	v7 =	vbroadcast v1, $0x7  }
0xa3: {  	v4 =	vadd.f32 v27, v4  }
0xa4: {  	[tilespmem:$0x1FD00] =	vst v3;
	v3 =	vbroadcast v1, $0x8;
	v2 =	vadd.f32 v2, v6;
	v6 =	vmul.f32 v7, v53;
	_ =	sdelay $0x1  }
0xa5: {  	[tilespmem:$0x1FD10] =	vst v4;
	v4 =	vbroadcast v1, $0x9;
	v2 =	vadd.f32 v2, v6;
	v6 =	vmul.f32 v3, v56  }
0xa6: {  	[tilespmem:$0x1FD50] =	vst v3  }
0xa7: {  	[tilespmem:$0x1FD60] =	vst v4;
	v3 =	vadd.f32 v2, v6;
	v6 =	vmul.f32 v4, v60;
	v4 =	vld [tilespmem:$0x1FCD0];
	_ =	sdelay $0x2  }
0xa8: {  	[tilespmem:$0x1FD40] =	vst v7;
	v7 =	vmul.f32 v8, v15;
	_ =	sdelay $0x1  }
0xa9: {  	v10 =	vmul.f32 v8, v25;
	v13 =	vadd.f32 v4, v7;
	v7 =	vld [tilespmem:$0x1FCE0]  }
0xaa: {  	[tilespmem:$0x1FD30] =	vst v12;
	v12 =	vmul.f32 v8, v26  }
0xab: {  	v9 =	vmul.f32 v5, v24;
	v14 =	vadd.f32 v42, v10;
	v10 =	vmul.f32 v5, v26  }
0xac: {  	v8 =	vmul.f32 v5, v25;
	v5 =	vbroadcast v1, $0xA  }
0xad: {  	v3 =	vadd.f32 v3, v6  }
0xae: {  	v6 =	vmul.f32 v5, v62;
	v4 =	vbroadcast v1, $0xB;
	v9 =	vadd.f32 v7, v9;
	v7 =	vld [tilespmem:$0x1FCF0];
	_ =	sdelay $0x1  }
0xaf: {  	v15 =	vld [tilespmem:$0x1FDC0];
	v3 =	vadd.f32 v3, v6;
	v6 =	vmul.f32 v4, v41;
	_ =	sdelay $0x1  }
0xb0: {  	v6 =	vadd.f32 v3, v6;
	v3 =	vld [tilespmem:$0x1FD10]  }
0xb1: {  	v2 =	vbroadcast v0, $0x2;
	v7 =	vadd.f32 v7, v8;
	v8 =	vld [tilespmem:$0x1FD00];
	_ =	sdelay $0x1  }
0xb2: {  	v27 =	vbroadcast v1, $0xC;
	[tilespmem:$0x1FD70] =	vst v5;
	v5 =	vmul.f32 v2, v15  }
0xb3: {  	v12 =	vadd.f32 v44, v12;
	v44 =	vbroadcast v1, $0xD;
	v42 =	vbroadcast v1, $0xE  }
0xb4: {  	[tilespmem:$0x1FD80] =	vst v4;
	v4 =	vmul.f32 v2, v29;
	v5 =	vadd.f32 v3, v5;
	v3 =	vmul.f32 v11, v15  }
0xb5: {  	v41 =	vld [tilespmem:$0x1FDE0];
	[tilespmem:$0x1FD20] =	vst v7;
	v7 =	vmul.f32 v2, v39;
	v10 =	vadd.f32 v8, v10;
	v8 =	vmul.f32 v2, v16  }
0xb6: {  	v15 =	vmov v54;
	v2 =	vmul.f32 v27, v54;
	v54 =	vbroadcast v1, $0xF;
	v1 =	vld [tilespmem:$0x1FD20]  }
0xb7: {  	v16 =	vld [tilespmem:$0x1FE70]  }
0xb8: {  	v4 =	vadd.f32 v14, v4;
	v14 =	vmul.f32 v11, v29  }
0xb9: {  	[tilespmem:$0x1FD90] =	vst v27;
	v27 =	vld [tilespmem:$0x1FEB0];
	v2 =	vadd.f32 v6, v2;
	v6 =	vadd.f32 v12, v7;
	v12 =	vbroadcast v0, $0x3  }
0xba: {  	v3 =	vadd.f32 v9, v3  }
0xbb: {  	v8 =	vadd.f32 v13, v8;
	v9 =	vmul.f32 v12, v41;
	v13 =	vadd.f32 v1, v14;
	v1 =	vld [tilespmem:$0x1FED0]  }
0xbc: {  	v7 =	vmul.f32 v44, v16  }
0xbd: {  	v9 =	vadd.f32 v5, v9;
	v5 =	vld [tilespmem:$0x1FE00]  }
0xbe: {  	v2 =	vadd.f32 v2, v7;
	v7 =	vmul.f32 v42, v27;
	_ =	sdelay $0x1  }
0xbf: {  	v11 =	vmul.f32 v11, v39;
	v2 =	vadd.f32 v2, v7;
	v7 =	vmul.f32 v54, v1;
	v1 =	vld [tilespmem:$0x1FDF0];
	_ =	sdelay $0x1  }
0xc0: {  	v10 =	vadd.f32 v10, v11;
	v11 =	vmul.f32 v12, v5;
	v2 =	vadd.f32 v2, v7  }
0xc1: {  	v7 =	vmul.f32 v37, v41  }
0xc2: {  	v6 =	vadd.f32 v6, v11;
	[tilespmem:$0x1FDA0] =	vst v2;
	v2 =	vmul.f32 v12, v43  }
0xc3: {  	v3 =	vadd.f32 v3, v7;
	v7 =	vmul.f32 v28, v35;
	v14 =	vmul.f32 v12, v1  }
0xc4: {  	v11 =	vmul.f32 v37, v1;
	v2 =	vadd.f32 v8, v2;
	v8 =	vbroadcast v0, $0x4  }
0xc5: {  	v12 =	vmul.f32 v37, v5;
	v3 =	vadd.f32 v3, v7;
	v4 =	vadd.f32 v4, v14  }
0xc6: {  	v11 =	vadd.f32 v13, v11;
	v14 =	vmul.f32 v28, v40;
	v13 =	vmul.f32 v8, v35  }
0xc7: {  	v10 =	vadd.f32 v10, v12;
	v12 =	vmul.f32 v8, v36;
	v7 =	vmul.f32 v8, v40  }
0xc8: {  	v8 =	vmul.f32 v8, v38;
	v9 =	vadd.f32 v9, v13;
	v13 =	vbroadcast v0, $0x5  }
0xc9: {  	v4 =	vadd.f32 v4, v12;
	v12 =	vmul.f32 v28, v36;
	v6 =	vadd.f32 v6, v7  }
0xca: {  	v41 =	vld [tilespmem:$0x1FD30];
	v2 =	vadd.f32 v2, v8;
	v7 =	vmul.f32 v17, v34;
	v8 =	vmul.f32 v13, v34  }
0xcb: {  	v10 =	vadd.f32 v10, v14;
	v11 =	vadd.f32 v11, v12;
	v12 =	vmul.f32 v13, v45  }
0xcc: {  	v3 =	vadd.f32 v3, v7;
	v7 =	vadd.f32 v9, v8;
	v8 =	vmul.f32 v13, v46  }
0xcd: {  	v9 =	vmul.f32 v13, v47;
	v4 =	vadd.f32 v4, v12;
	v12 =	vmul.f32 v17, v45  }
0xce: {  	v13 =	vmul.f32 v17, v46;
	v6 =	vadd.f32 v6, v8;
	v8 =	vbroadcast v0, $0x6  }
0xcf: {  	v37 =	vld [tilespmem:$0x1FD40];
	v14 =	vmul.f32 v41, v49;
	v2 =	vadd.f32 v2, v9;
	v9 =	vmul.f32 v41, v32  }
0xd0: {  	v11 =	vadd.f32 v11, v12;
	v10 =	vadd.f32 v10, v13;
	v12 =	vmul.f32 v8, v32  }
0xd1: {  	v13 =	vmul.f32 v8, v48;
	v3 =	vadd.f32 v3, v9;
	v9 =	vmul.f32 v8, v49  }
0xd2: {  	v8 =	vmul.f32 v8, v50;
	v7 =	vadd.f32 v7, v12;
	v12 =	vbroadcast v0, $0x7  }
0xd3: {  	v4 =	vadd.f32 v4, v13;
	v13 =	vmul.f32 v41, v48;
	v6 =	vadd.f32 v6, v9  }
0xd4: {  	v2 =	vadd.f32 v2, v8;
	v8 =	vmul.f32 v37, v30;
	v41 =	vld [tilespmem:$0x1FD50];
	v9 =	vmul.f32 v12, v30  }
0xd5: {  	v10 =	vadd.f32 v10, v14;
	v11 =	vadd.f32 v11, v13;
	v13 =	vmul.f32 v12, v51  }
0xd6: {  	v3 =	vadd.f32 v3, v8;
	v8 =	vmul.f32 v12, v52;
	v7 =	vadd.f32 v7, v9  }
0xd7: {  	v9 =	vmul.f32 v12, v53;
	v4 =	vadd.f32 v4, v13;
	v12 =	vmul.f32 v37, v51  }
0xd8: {  	v28 =	vld [tilespmem:$0x1FD60];
	v13 =	vmul.f32 v37, v52;
	v6 =	vadd.f32 v6, v8;
	v8 =	vbroadcast v0, $0x8  }
0xd9: {  	v2 =	vadd.f32 v2, v9;
	v9 =	vmul.f32 v41, v57;
	v11 =	vadd.f32 v11, v12  }
0xda: {  	v12 =	vmul.f32 v8, v57;
	v10 =	vadd.f32 v10, v13;
	v13 =	vmul.f32 v8, v31  }
0xdb: {  	v3 =	vadd.f32 v3, v9;
	v9 =	vmul.f32 v8, v55;
	v8 =	vmul.f32 v8, v56  }
0xdc: {  	v7 =	vadd.f32 v7, v12;
	v12 =	vbroadcast v0, $0x9;
	v4 =	vadd.f32 v4, v13  }
0xdd: {  	v57 =	vld [tilespmem:$0x1FD70];
	v13 =	vmul.f32 v41, v31;
	v2 =	vadd.f32 v2, v8;
	v8 =	vmul.f32 v28, v33  }
0xde: {  	v6 =	vadd.f32 v6, v9;
	v9 =	vmul.f32 v12, v33  }
0xdf: {  	v11 =	vadd.f32 v11, v13;
	v3 =	vadd.f32 v3, v8;
	v8 =	vmul.f32 v12, v59  }
0xe0: {  	v13 =	vmul.f32 v12, v58;
	v7 =	vadd.f32 v7, v9;
	v9 =	vmul.f32 v12, v60  }
0xe1: {  	v12 =	vmul.f32 v28, v58;
	v6 =	vadd.f32 v6, v8;
	v8 =	vbroadcast v0, $0xA  }
0xe2: {  	v2 =	vadd.f32 v2, v9;
	v9 =	vmul.f32 v57, v19  }
0xe3: {  	v11 =	vadd.f32 v11, v12;
	v12 =	vmul.f32 v8, v19  }
0xe4: {  	v14 =	vmul.f32 v41, v55;
	v3 =	vadd.f32 v3, v9  }
0xe5: {  	v9 =	vmul.f32 v8, v63;
	v7 =	vadd.f32 v7, v12;
	v12 =	vbroadcast v0, $0xB  }
0xe6: {  	v10 =	vadd.f32 v10, v14;
	v4 =	vadd.f32 v4, v13;
	v13 =	vmul.f32 v28, v59;
	v58 =	vld [tilespmem:$0x1FD80]  }
0xe7: {  	v1 =	vld [tilespmem:$0x1FFD0];
	v6 =	vadd.f32 v6, v9;
	v9 =	vmul.f32 v12, v18  }
0xe8: {  	v5 =	vld [tilespmem:$0x1FFE0];
	v10 =	vadd.f32 v10, v13;
	v13 =	vmul.f32 v8, v61  }
0xe9: {  	v8 =	vmul.f32 v8, v62;
	v7 =	vadd.f32 v7, v9;
	v9 =	vld [tilespmem:$0x1FFF0]  }
0xea: {  	v4 =	vadd.f32 v4, v13;
	v13 =	vmul.f32 v57, v61  }
0xeb: {  	v2 =	vadd.f32 v2, v8;
	v8 =	vmul.f32 v58, v18  }
0xec: {  	v11 =	vadd.f32 v11, v13  }
0xed: {  	v28 =	vld [tilespmem:$0x1FD90];
	v13 =	vmul.f32 v12, v1;
	v3 =	vadd.f32 v3, v8;
	v8 =	vmul.f32 v12, v5  }
0xee: {  	v9 =	vmul.f32 v12, v9;
	v12 =	vmul.f32 v58, v1;
	v1 =	vld [tilespmem:$0x1FE10];
	_ =	sdelay $0x2  }
0xef: {  	v6 =	vadd.f32 v6, v8;
	v8 =	vbroadcast v0, $0xC  }
0xf0: {  	v2 =	vadd.f32 v2, v9  }
0xf1: {  	v11 =	vadd.f32 v11, v12;
	v9 =	vmul.f32 v28, v1;
	v12 =	vmul.f32 v8, v1;
	v1 =	vld [tilespmem:$0x1FE20]  }
0xf2: {  	v14 =	vmul.f32 v57, v63;
	_ =	sdelay $0x1  }
0xf3: {  	v10 =	vadd.f32 v10, v14;
	v4 =	vadd.f32 v4, v13;
	v13 =	vmul.f32 v58, v5  }
0xf4: {  	v5 =	vld [tilespmem:$0x1FE30]  }
0xf5: {  	v10 =	vadd.f32 v10, v13;
	v13 =	vmul.f32 v8, v1;
	_ =	sdelay $0x1  }
0xf6: {  	v4 =	vadd.f32 v4, v13;
	v13 =	vmul.f32 v28, v1;
	v1 =	vld [tilespmem:$0x1FE40];
	_ =	sdelay $0x1  }
0xf7: {  	v3 =	vadd.f32 v3, v9;
	v9 =	vmul.f32 v8, v5  }
0xf8: {  	v7 =	vadd.f32 v7, v12;
	v12 =	vbroadcast v0, $0xD;
	v8 =	vmul.f32 v8, v15  }
0xf9: {  	v14 =	vmul.f32 v28, v5;
	v6 =	vadd.f32 v6, v9  }
0xfa: {  	v5 =	vadd.f32 v2, v8;
	v8 =	vmul.f32 v44, v1;
	v9 =	vmul.f32 v12, v1;
	v1 =	vld [tilespmem:$0x1FE50];
	_ =	sdelay $0x2  }
0xfb: {  	v2 =	vld [tilespmem:$0x1FE60];
	_ =	sdelay $0x1  }
0xfc: {  	v11 =	vadd.f32 v11, v13;
	v13 =	vmul.f32 v12, v1;
	_ =	sdelay $0x1  }
0xfd: {  	v63 =	vadd.f32 v7, v9;
	v7 =	vadd.f32 v4, v13;
	v4 =	vmul.f32 v44, v1;
	v1 =	vld [tilespmem:$0x1FE80]  }
0xfe: {  	v15 =	vadd.f32 v10, v14;
	v14 =	vadd.f32 v3, v8;
	v3 =	vmul.f32 v12, v2  }
0xff: {  	v9 =	vmul.f32 v12, v16;
	v12 =	vmul.f32 v44, v2  }
0x100: {  	v2 =	vbroadcast v0, $0xE  }
0x101: {  	v8 =	vadd.f32 v6, v3;
	v3 =	vadd.f32 v15, v12;
	v15 =	vld [tilespmem:$0x1FEA0]  }
0x102: {  	v6 =	vadd.f32 v5, v9;
	v5 =	vmul.f32 v42, v1;
	v10 =	vmul.f32 v2, v1;
	v1 =	vld [tilespmem:$0x1FE90];
	_ =	sdelay $0x3  }
0x103: {  	v4 =	vadd.f32 v11, v4;
	v11 =	vmul.f32 v2, v27  }
0x104: {  	v9 =	vadd.f32 v14, v5;
	v14 =	vmul.f32 v2, v15;
	v13 =	vmul.f32 v2, v1;
	v2 =	vld [tilespmem:$0x1FDA0];
	_ =	sdelay $0x4  }
0x105: {  	s3 =	simm.s32 $0x0;
	s0 =	simm.s32 $0x2C0;
	s11 =	simm.s32 $0xA2B0;
	v5 =	vadd.f32 v63, v10;
	v12 =	vmul.f32 v42, v1;
	[tilespmem:s31+$0x30] =	vst v2;
	v2 =	vmul.f32 v42, v15  }
.LBB2_3:
0x106: {  	v1 =	vld [tilespmem:$0x1FEC0]  }
0x107: {  	v10 =	vld [tilespmem:s11+$0x0]  }
0x108: {  	v16 =	vld [tilespmem:$0x1FFB0]  }
0x109: {  	v15 =	vbroadcast v0, $0xF;
	v32 =	vld [tilespmem:$0x1FED0]  }
0x10a: {  	v0 =	vld [tilespmem:s11+$0xFFFFFFF0];
	v6 =	vadd.f32 v6, v11  }
0x10b: {  	v4 =	vadd.f32 v4, v12;
	v11 =	vmul.f32 v54, v1;
	v12 =	vmul.f32 v15, v1;
	v1 =	vld [tilespmem:$0x1FFA0];
	_ =	sdelay $0x1  }
0x10c: {  	v7 =	vadd.f32 v7, v13  }
0x10d: {  	v8 =	vadd.f32 v8, v14;
	v13 =	vmul.f32 v15, v16;
	v14 =	vmul.f32 v15, v32  }
0x10e: {  	s31 =	sadd.s32 $0x80, s31;
	v27 =	vld [tilespmem:$0x1FDB0];
	v2 =	vadd.f32 v3, v2;
	v17 =	vbroadcast v0, $0x1;
	v19 =	vbroadcast v10, $0x2  }
0x10f: {  	v9 =	vadd.f32 v9, v11;
	v11 =	vld [tilespmem:s31+$0x30];
	v5 =	vadd.f32 v5, v12;
	v3 =	vmul.f32 v15, v1  }
0x110: {  	v12 =	vmul.f32 v54, v16;
	v16 =	vbroadcast v10, $0x0;
	v7 =	vadd.f32 v7, v13;
	v15 =	vld [tilespmem:s31+$0xFFFFFFC0]  }
0x111: {  	v28 =	vld [tilespmem:$0x1FDD0];
	[tilespmem:s0+$0x0] =	vst v9;
	v1 =	vmul.f32 v54, v1;
	v3 =	vadd.f32 v8, v3;
	v8 =	vbroadcast v0, $0x0  }
0x112: {  	v9 =	vld [tilespmem:s31+$0xFFFFFFD0];
	v13 =	vmul.f32 v16, v20;
	[tilespmem:s0+$0xFFFFFFC0] =	vst v5;
	v5 =	vadd.f32 v6, v14;
	v14 =	vbroadcast v10, $0x1  }
0x113: {  	v4 =	vadd.f32 v4, v12;
	v6 =	vld [tilespmem:s31+$0xFFFFFFE0];
	[tilespmem:s0+$0xFFFFFFD0] =	vst v7;
	v1 =	vadd.f32 v2, v1;
	v7 =	vmul.f32 v8, v21  }
0x114: {  	v18 =	vld [tilespmem:s31+$0xFFFFFFF0];
	v12 =	vmul.f32 v8, v22;
	[tilespmem:s0+$0xFFFFFFE0] =	vst v3;
	v3 =	vadd.f32 v11, v13;
	v11 =	vmul.f32 v14, v27  }
0x115: {  	v2 =	vld [tilespmem:s31+$0x0];
	[tilespmem:s0+$0xFFFFFFF0] =	vst v5;
	v5 =	vadd.f32 v7, v15;
	v7 =	vmul.f32 v8, v23;
	v8 =	vmul.f32 v8, v20  }
0x116: {  	v15 =	vld [tilespmem:s31+$0x10];
	[tilespmem:s0+$0x10] =	vst v4;
	v20 =	vbroadcast v10, $0x3;
	v3 =	vadd.f32 v3, v11;
	v11 =	vmul.f32 v19, v28  }
0x117: {  	v13 =	vbroadcast v10, $0x4;
	v4 =	vld [tilespmem:s31+$0x20];
	[tilespmem:s0+$0x20] =	vst v1;
	v1 =	vadd.f32 v9, v12;
	v9 =	vmul.f32 v16, v21  }
0x118: {  	v21 =	vmul.f32 v16, v22;
	v3 =	vadd.f32 v3, v11;
	v11 =	vmul.f32 v20, v43  }
0x119: {  	v12 =	vbroadcast v10, $0x5;
	v22 =	vmul.f32 v17, v26  }
0x11a: {  	v18 =	vadd.f32 v18, v8;
	v8 =	vmul.f32 v13, v38;
	v3 =	vadd.f32 v3, v11  }
0x11b: {  	v6 =	vadd.f32 v6, v7;
	v7 =	vmul.f32 v16, v23;
	v16 =	vmul.f32 v17, v24  }
0x11c: {  	v11 =	vbroadcast v10, $0x6;
	v3 =	vadd.f32 v3, v8;
	v8 =	vmul.f32 v12, v47  }
0x11d: {  	v2 =	vadd.f32 v9, v2;
	v9 =	vbroadcast v10, $0x7;
	v16 =	vadd.f32 v5, v16  }
0x11e: {  	v4 =	vadd.f32 v4, v7;
	v7 =	vmul.f32 v11, v50;
	v3 =	vadd.f32 v3, v8  }
0x11f: {  	v5 =	vmul.f32 v17, v27;
	v22 =	vadd.f32 v6, v22;
	v6 =	vbroadcast v10, $0xA  }
0x120: {  	v57 =	vmovc v50;
	v23 =	vmul.f32 v9, v53;
	v8 =	vbroadcast v10, $0x8;
	v3 =	vadd.f32 v3, v7  }
0x121: {  	v58 =	vmovc v60;
	v37 =	vld [tilespmem:$0x1FFF0];
	v15 =	vadd.f32 v15, v21;
	v21 =	vmul.f32 v17, v25;
	v17 =	vmul.f32 v14, v24  }
0x122: {  	v31 =	vmovc v61;
	v61 =	vmovc v53;
	v27 =	vld [tilespmem:$0x1FDC0];
	v7 =	vbroadcast v10, $0x9;
	v3 =	vadd.f32 v3, v23;
	v23 =	vmul.f32 v8, v56  }
0x123: {  	v50 =	vmovc v34;
	v34 =	vmovc v24;
	v24 =	vbroadcast v0, $0x2;
	v18 =	vadd.f32 v18, v5;
	v5 =	vbroadcast v10, $0xB  }
0x124: {  	v53 =	vmovc v47;
	v1 =	vadd.f32 v1, v21;
	v3 =	vadd.f32 v3, v23;
	v23 =	vmul.f32 v7, v60  }
0x125: {  	v42 =	vld [tilespmem:$0x1FFC0];
	v47 =	vmovc v36;
	v21 =	vmul.f32 v14, v25;
	v14 =	vmul.f32 v14, v26;
	v17 =	vadd.f32 v2, v17  }
0x126: {  	v36 =	vmovc v26;
	v26 =	vmul.f32 v5, v37;
	v2 =	vadd.f32 v3, v23;
	v3 =	vmul.f32 v6, v62  }
0x127: {  	v41 =	vld [tilespmem:$0x1FE70];
	v60 =	vmovc v52;
	v52 =	vmovc v46;
	v46 =	vmov v35;
	v35 =	vmov v25;
	v25 =	vmul.f32 v24, v27  }
0x128: {  	v14 =	vadd.f32 v4, v14;
	v4 =	vbroadcast v10, $0xC;
	v2 =	vadd.f32 v2, v3  }
0x129: {  	v16 =	vadd.f32 v16, v25;
	v25 =	vmul.f32 v19, v27  }
0x12a: {  	v27 =	vmul.f32 v4, v42;
	v3 =	vbroadcast v10, $0xD;
	v26 =	vadd.f32 v2, v26  }
0x12b: {  	v54 =	vbroadcast v10, $0xF;
	v15 =	vadd.f32 v15, v21  }
0x12c: {  	v21 =	vmul.f32 v24, v29;
	v26 =	vadd.f32 v26, v27;
	v27 =	vmul.f32 v3, v41  }
0x12d: {  	v23 =	vmul.f32 v24, v39;
	v24 =	vmul.f32 v24, v28  }
0x12e: {  	v28 =	vmul.f32 v19, v29;
	v2 =	vbroadcast v10, $0xE;
	v10 =	vadd.f32 v26, v27;
	v27 =	vld [tilespmem:$0x1FEB0]  }
0x12f: {  	v21 =	vadd.f32 v1, v21;
	v1 =	vmovc v55;
	v55 =	vmov v48;
	v48 =	vmov v40;
	v26 =	vld [tilespmem:$0x1FDE0]  }
0x130: {  	v40 =	vmovc v39;
	v19 =	vmul.f32 v19, v39;
	v39 =	vmovc v29;
	v29 =	vbroadcast v0, $0x3;
	v15 =	vadd.f32 v15, v28;
	v28 =	vld [tilespmem:$0x1FDF0]  }
0x131: {  	v44 =	vld [tilespmem:$0x1FE00]  }
0x132: {  	v22 =	vadd.f32 v22, v23;
	v18 =	vadd.f32 v18, v24;
	v30 =	vmul.f32 v29, v43  }
0x133: {  	v17 =	vadd.f32 v17, v25;
	v14 =	vadd.f32 v14, v19;
	v23 =	vmul.f32 v2, v27  }
0x134: {  	v19 =	vmul.f32 v54, v32;
	v18 =	vadd.f32 v18, v30;
	v24 =	vmul.f32 v29, v26  }
0x135: {  	v25 =	vmovc v35;
	v35 =	vmov v46;
	v10 =	vadd.f32 v10, v23;
	v23 =	vmul.f32 v29, v28  }
0x136: {  	v32 =	vmul.f32 v20, v26;
	v26 =	vmovc v36;
	v16 =	vadd.f32 v16, v24;
	v24 =	vmul.f32 v29, v44  }
0x137: {  	v36 =	vmovc v47;
	v10 =	vadd.f32 v10, v19;
	v19 =	vadd.f32 v21, v23;
	v21 =	vmul.f32 v20, v28  }
0x138: {  	v29 =	vmovc v39;
	v39 =	vmovc v40;
	v20 =	vmul.f32 v20, v44;
	v23 =	vbroadcast v0, $0x4;
	v22 =	vadd.f32 v22, v24  }
0x139: {  	[tilespmem:s31+$0x30] =	vst v10;
	v10 =	vadd.f32 v17, v32;
	v17 =	vmul.f32 v13, v35;
	v15 =	vadd.f32 v15, v21  }
0x13a: {  	v40 =	vmovc v48;
	v21 =	vmul.f32 v23, v35;
	v28 =	vmul.f32 v23, v36;
	v14 =	vadd.f32 v14, v20  }
0x13b: {  	v20 =	vmul.f32 v23, v40;
	v23 =	vmul.f32 v23, v38;
	v10 =	vadd.f32 v10, v17  }
0x13c: {  	v16 =	vadd.f32 v16, v21;
	v17 =	vmul.f32 v13, v36;
	v13 =	vmul.f32 v13, v40  }
0x13d: {  	v24 =	vmovc v34;
	v34 =	vmovc v50;
	v21 =	vbroadcast v0, $0x5;
	v19 =	vadd.f32 v19, v28;
	v20 =	vadd.f32 v22, v20  }
0x13e: {  	v46 =	vmovc v52;
	v32 =	vld [tilespmem:$0x1FF70];
	v18 =	vadd.f32 v18, v23;
	v22 =	vmul.f32 v12, v34;
	v15 =	vadd.f32 v15, v17  }
0x13f: {  	v47 =	vmovc v53;
	v17 =	vmul.f32 v21, v34;
	v23 =	vmul.f32 v21, v45;
	v13 =	vadd.f32 v14, v13  }
0x140: {  	v14 =	vmul.f32 v21, v46;
	v21 =	vmul.f32 v21, v47;
	v10 =	vadd.f32 v10, v22  }
0x141: {  	v22 =	vbroadcast v0, $0x6;
	v16 =	vadd.f32 v16, v17;
	v17 =	vmul.f32 v12, v45  }
0x142: {  	v48 =	vmovc v55;
	v12 =	vmul.f32 v12, v46;
	v19 =	vadd.f32 v19, v23;
	v14 =	vadd.f32 v20, v14  }
0x143: {  	v30 =	vld [tilespmem:$0x1FF20];
	v18 =	vadd.f32 v18, v21;
	v20 =	vmul.f32 v11, v32;
	v21 =	vmul.f32 v22, v48  }
0x144: {  	v15 =	vadd.f32 v15, v17;
	v17 =	vmul.f32 v22, v32;
	v12 =	vadd.f32 v13, v12  }
0x145: {  	v13 =	vmul.f32 v22, v49;
	v22 =	vmul.f32 v22, v57;
	v10 =	vadd.f32 v10, v20  }
0x146: {  	v53 =	vmovc v61;
	v20 =	vbroadcast v0, $0x7;
	v19 =	vadd.f32 v19, v21;
	v16 =	vadd.f32 v16, v17  }
0x147: {  	v61 =	vmovc v31;
	v31 =	vld [tilespmem:$0x1FF50];
	v17 =	vmul.f32 v11, v48;
	v11 =	vmul.f32 v11, v49;
	v13 =	vadd.f32 v14, v13  }
0x148: {  	v50 =	vmovc v57;
	v57 =	vld [tilespmem:$0x1FEF0];
	v14 =	vadd.f32 v18, v22;
	v18 =	vmul.f32 v9, v30;
	v21 =	vmul.f32 v20, v51  }
0x149: {  	v52 =	vmovc v60;
	v15 =	vadd.f32 v15, v17;
	v17 =	vmul.f32 v20, v30;
	v11 =	vadd.f32 v12, v11  }
0x14a: {  	v12 =	vmul.f32 v20, v52;
	v20 =	vmul.f32 v20, v53;
	v10 =	vadd.f32 v10, v18  }
0x14b: {  	v18 =	vbroadcast v0, $0x8;
	v19 =	vadd.f32 v19, v21;
	v16 =	vadd.f32 v16, v17  }
0x14c: {  	v17 =	vmul.f32 v9, v51;
	v9 =	vmul.f32 v9, v52;
	v12 =	vadd.f32 v13, v12  }
0x14d: {  	v60 =	vmovc v58;
	v58 =	vld [tilespmem:$0x1FF10];
	v13 =	vadd.f32 v14, v20;
	v14 =	vmul.f32 v8, v57;
	v20 =	vmul.f32 v18, v31  }
0x14e: {  	v33 =	vmovc v33;
	v15 =	vadd.f32 v15, v17;
	v17 =	vmul.f32 v18, v57;
	v9 =	vadd.f32 v11, v9  }
0x14f: {  	v11 =	vmul.f32 v18, v1;
	v18 =	vmul.f32 v18, v56;
	v10 =	vadd.f32 v10, v14  }
0x150: {  	v19 =	vadd.f32 v19, v20;
	v14 =	vadd.f32 v16, v17;
	v17 =	vbroadcast v0, $0x9  }
0x151: {  	v33 =	vmovc v33;
	v16 =	vmul.f32 v8, v31;
	v8 =	vmul.f32 v8, v1;
	v11 =	vadd.f32 v12, v11  }
0x152: {  	v12 =	vadd.f32 v13, v18;
	v13 =	vmul.f32 v7, v33;
	v18 =	vmul.f32 v17, v58  }
0x153: {  	v15 =	vadd.f32 v15, v16;
	v16 =	vmul.f32 v17, v33;
	v8 =	vadd.f32 v9, v8  }
0x154: {  	v9 =	vmul.f32 v17, v59;
	v17 =	vmul.f32 v17, v60;
	v18 =	vadd.f32 v19, v18;
	v19 =	vld [tilespmem:$0x1FF40]  }
0x155: {  	v63 =	vmovc v62;
	v10 =	vadd.f32 v10, v13;
	v13 =	vadd.f32 v14, v16;
	v16 =	vbroadcast v0, $0xA  }
0x156: {  	v62 =	vmov v63;
	v63 =	vld [tilespmem:$0x1FF60]  }
0x157: {  	v9 =	vadd.f32 v11, v9;
	v11 =	vadd.f32 v12, v17;
	v17 =	vmul.f32 v16, v61  }
0x158: {  	v14 =	vmul.f32 v7, v58;
	v7 =	vmul.f32 v7, v59  }
0x159: {  	v17 =	vadd.f32 v18, v17;
	v18 =	vld [tilespmem:$0x1FF80];
	v12 =	vmul.f32 v6, v19  }
0x15a: {  	v55 =	vmovc v1;
	v1 =	vld [tilespmem:$0x1FFD0];
	v14 =	vadd.f32 v15, v14;
	v7 =	vadd.f32 v8, v7;
	v15 =	vmul.f32 v16, v19  }
0x15b: {  	v8 =	vmul.f32 v16, v63;
	v16 =	vmul.f32 v16, v62;
	v10 =	vadd.f32 v10, v12  }
0x15c: {  	v12 =	vadd.f32 v13, v15;
	v13 =	vmul.f32 v6, v61;
	v15 =	vbroadcast v0, $0xB  }
0x15d: {  	v28 =	vld [tilespmem:$0x1FFE0];
	v8 =	vadd.f32 v9, v8;
	v9 =	vadd.f32 v11, v16  }
0x15e: {  	v11 =	vmul.f32 v5, v18;
	v13 =	vadd.f32 v14, v13;
	v14 =	vmul.f32 v15, v18  }
0x15f: {  	v6 =	vmul.f32 v6, v63;
	v16 =	vmul.f32 v15, v1  }
0x160: {  	v10 =	vadd.f32 v10, v11;
	v11 =	vadd.f32 v12, v14;
	v12 =	vmul.f32 v5, v1;
	v1 =	vld [tilespmem:$0x1FE10];
	_ =	sdelay $0x1  }
0x161: {  	v6 =	vadd.f32 v7, v6;
	v7 =	vmul.f32 v15, v28;
	v15 =	vmul.f32 v15, v37  }
0x162: {  	v14 =	vbroadcast v0, $0xC  }
0x163: {  	v7 =	vadd.f32 v8, v7;
	v8 =	vadd.f32 v9, v15  }
0x164: {  	v12 =	vadd.f32 v13, v12;
	v9 =	vmul.f32 v4, v1;
	v13 =	vmul.f32 v14, v1;
	v1 =	vld [tilespmem:$0x1FE20];
	_ =	sdelay $0x1  }
0x165: {  	v16 =	vadd.f32 v17, v16;
	v17 =	vld [tilespmem:$0x1FE30];
	_ =	sdelay $0x1  }
0x166: {  	v5 =	vmul.f32 v5, v28;
	v9 =	vadd.f32 v10, v9  }
0x167: {  	v10 =	vadd.f32 v11, v13;
	v15 =	vmul.f32 v14, v1;
	v11 =	vmul.f32 v4, v1;
	v1 =	vld [tilespmem:$0x1FE40];
	_ =	sdelay $0x1  }
0x168: {  	v5 =	vadd.f32 v6, v5;
	v6 =	vmul.f32 v14, v17  }
0x169: {  	v13 =	vbroadcast v0, $0xD;
	v14 =	vmul.f32 v14, v42  }
0x16a: {  	v6 =	vadd.f32 v7, v6  }
0x16b: {  	v14 =	vadd.f32 v8, v14;
	v7 =	vmul.f32 v3, v1;
	v8 =	vmul.f32 v13, v1;
	v1 =	vld [tilespmem:$0x1FE50];
	_ =	sdelay $0x1  }
0x16c: {  	v4 =	vmul.f32 v4, v17;
	v17 =	vld [tilespmem:$0x1FE60];
	_ =	sdelay $0x1  }
0x16d: {  	v15 =	vadd.f32 v16, v15  }
0x16e: {  	v11 =	vadd.f32 v12, v11;
	v12 =	vmul.f32 v13, v1;
	v16 =	vmul.f32 v3, v1;
	v1 =	vld [tilespmem:$0x1FE80];
	_ =	sdelay $0x1  }
0x16f: {  	v5 =	vadd.f32 v5, v4;
	v4 =	vmul.f32 v13, v17;
	v9 =	vadd.f32 v9, v7  }
0x170: {  	v10 =	vadd.f32 v10, v8;
	v3 =	vmul.f32 v3, v17;
	v17 =	vbroadcast v0, $0xE  }
0x171: {  	v8 =	vadd.f32 v6, v4;
	v4 =	vadd.f32 v11, v16;
	v16 =	vld [tilespmem:$0x1FEA0]  }
0x172: {  	s3 =	sadd.s32 $0x2, s3;
	v7 =	vadd.f32 v15, v12;
	v12 =	vmul.f32 v2, v1;
	v15 =	vmul.f32 v17, v1;
	v1 =	vld [tilespmem:$0x1FE90]  }
0x173: {  	p0 =	slt.u32 s3, $0x27E  }
.Ltmp0:
0x174: {  	v13 =	vmul.f32 v13, v41;
	(pc) =	sbr.rel @p0 .LBB2_3-.Ltmp0, $4  }
0x175: {  	v23 =	vld [tilespmem:$0x1FF90]  }
0x176: {  	v22 =	vld [tilespmem:$0x1FF30];
	v6 =	vadd.f32 v14, v13;
	v3 =	vadd.f32 v5, v3;
	v11 =	vmul.f32 v17, v27  }
0x177: {  	v21 =	vld [tilespmem:$0x1FF00];
	v14 =	vmul.f32 v17, v16;
	v9 =	vadd.f32 v9, v12;
	v13 =	vmul.f32 v17, v1  }
0x178: {  	s11 =	sadd.s32 $0x20, s11;
	s0 =	smov.u32 s31;
	v20 =	vld [tilespmem:$0x1FEE0];
	v5 =	vadd.f32 v10, v15;
	v12 =	vmul.f32 v2, v1;
	v2 =	vmul.f32 v2, v16  }
0x179: {  	v1 =	vld [tilespmem:$0x1FEC0];
	_ =	sdelay $0x1  }
0x17a: {  	v44 =	vld [tilespmem:$0x1FFB0]  }
0x17b: {  	v37 =	vld [tilespmem:$0x1FFA0]  }
0x17c: {  	v0 =	vbroadcast v0, $0xF;
	v42 =	vld [tilespmem:$0x1FED0]  }
0x17d: {  	v10 =	vmul.f32 v54, v1  }
0x17e: {  	v15 =	vmul.f32 v0, v1  }
0x17f: {  	v7 =	vadd.f32 v7, v13;
	v16 =	vmul.f32 v0, v44;
	v9 =	vadd.f32 v9, v10  }
0x180: {  	v8 =	vadd.f32 v8, v14;
	v41 =	vmul.f32 v0, v37;
	v5 =	vadd.f32 v5, v15  }
0x181: {  	v6 =	vadd.f32 v6, v11;
	v0 =	vmul.f32 v0, v42;
	v7 =	vadd.f32 v7, v16;
	[tilespmem:s0+$0x0] =	vst v9  }
0x182: {  	v4 =	vadd.f32 v4, v12;
	v44 =	vmul.f32 v54, v44;
	v8 =	vadd.f32 v8, v41;
	[tilespmem:s0+$0xFFFFFFC0] =	vst v5  }
0x183: {  	s3 =	smul.u32 $0x280, s30;
	v2 =	vadd.f32 v3, v2;
	v54 =	vmul.f32 v54, v37;
	v0 =	vadd.f32 v6, v0;
	[tilespmem:s0+$0xFFFFFFD0] =	vst v7  }
0x184: {  	v3 =	vadd.f32 v4, v44;
	[tilespmem:s0+$0xFFFFFFE0] =	vst v8  }
0x185: {  	s30 =	sadd.s32 $0x1, s30;
	s3 =	sadd.s32 s7, s3;
	v1 =	vadd.f32 v2, v54;
	[tilespmem:s0+$0xFFFFFFF0] =	vst v0  }
0x186: {  	p0 =	sne.s32 s30, $0xA;
	s3 =	sshll.u32 s3, $0x3;
	[tilespmem:s0+$0x10] =	vst v3  }
.Ltmp1:
0x187: {  	s31 =	sadd.s32 s1, s3;
	[tilespmem:s0+$0x20] =	vst v1;
	(pc) =	sbr.rel @p0 .LBB2_2-.Ltmp1, $4  }
0x188: {  	[hbm4b:s31+s2] =	stream.linear.scatter [tilespmem:s14], [sflag:$0x2], $0xA000, $0x38;
	[tilespmem:$0xCE80] =	vst v63  }
0x189: {  	_ =	swait.ge [sflag:s12], $0xA000  }
0x18a: {  	[sflag:s12] =	ssyncset.done $0x0;
	v5 =	vld [tilespmem:$0x1FFF0]  }
0x18b: {  	v54 =	vld [tilespmem:$0x1FFC0];
	[sflag:s12] =	ssyncadd.s32 $0xFFFF6000  }
0x18c: {  	s29 =	sadd.s32 $0x1, s29  }
0x18d: {  	p0 =	sne.s32 s29, s10  }
.Ltmp2:
0x18e: {  	_ = 	snop;
	(pc) =	sbr.rel @p0 .LBB2_1-.Ltmp2, $1  }
0x18f: {  	_ =	sdelay $0x3  }
0x190: {  	_ =	sfence.sel $0x180000  }
0x191: {  	[bflag:$0x0] =	sbarrier.arrive $0xFFFF  }
0x192: {  	_ =	strace $0x90000047  }
0x193: {  	s0 =	stileid.u32;
	[bflag:$0x2] =	sbarrier.arrive $0xFFFF  }
0x194: {  	p0 =	sne.s32 s0, $0x0;
	s0 =	rddreg [dreg:$0x2]  }
0x195: {  	s0 =	sadd.s32 @!p0 $0x100000, s0  }
0x196: {  	[sflag:s0] =	ssyncadd.tile.s32 @!p0 $0x1;
	_ =	shalt  }
.Lfunc_end2:
_tile_overlayer_lowered:
.L_overlay_start_2:
0x197: {  	(tag) =	ssettag $0x2  }
0x198: {  	s0 =	rddreg [dreg:$0x0];
	s2 =	stileid.u32  }
0x199: {  	s1 =	rddreg [dreg:$0x1];
	p0 =	sne.s32 s2, $0x0  }
0x19a: {  	s3 =	rddreg [dreg:$0x2];
	[bflag:$0x3] =	sbarrier.arrive $0xFFFF;
	s2 =	simm.s32 @!p0 $0x1C02  }
0x19b: {  	[timem:s3], [sflag:s2] =	dma.local @!p0 [hbm:s0], s1  }
0x19c: {  	s0 =	simm.s32 @!p0 $0x2  }
0x19d: {  	_ =	swait.ge @!p0 [sflag:s0], s1  }
0x19e: {  	s1 =	ssub.s32 @!p0 $0x0, s1;
	[sflag:s0] =	ssyncset.done @!p0 $0x0  }
0x19f: {  	[sflag:s0] =	ssyncadd.s32 @!p0 s1  }
0x1a0: {  	[bflag:$0x3] =	sbarrier.arrive $0xFFFF  }
0x1a1: {  	_ =	shalt  }

// kernel: sparse-core-data-format-call.cloned.1.call-start
scs
called_computation_lowered:
.L_overlay_start_0:
0x0: {  	s2 =	sld [smem:$0x3FD9]  }
0x1: {  	s3 =	sld [smem:$0x3FFE];
	_ =	sdelay $0x1  }
0x2: {  	s1 =	srdreg.scid  }
0x3: {  	s0 =	sand.u32 $0x1, s1  }
0x4: {  	s18 =	sshll.u32 s0, $0xA;
	s2 =	sadd.s32 s3, s2  }
0x5: {  	s2 =	sadd.s32 s2, s18  }
0x6: {  	[smem:$0x3FC4] =	sst s2  }
0x7: {  	_ = 	snop  }
0x8: {  	s2 =	sld [smem:$0x3FD0];
	(tm) =	ssettm $0x1  }
0x9: {  	s19 =	sld [smem:$0x3FFB];
	_ =	sdelay $0x3  }
0xa: {  	_ =	strace s19  }
0xb: {  	s3 =	sld [smem:$0x3FFC];
	_ =	sdelay $0x3  }
0xc: {  	_ =	strace s3  }
0xd: {  	s3 =	sld [smem:$0x3FFD];
	_ =	sdelay $0x3  }
0xe: {  	_ =	strace s3  }
0xf: {  	_ =	strace $0x8FFFFFFF  }
0x10: {  	s20 =	sld [smem:$0x3FDB];
	_ =	sdelay $0x1  }
0x11: {  	s4 =	simm.s32 $_scs_section_size  }
0x12: {  	s5 =	simm.s32 $_size__tile_overlayer_lowered;
	s6 =	simm.s32 $_tile_overlayer_lowered  }
0x13: {  	s23 =	simm.s32 $0x1BFF;
	s22 =	sshll.u32 s6, $0x1;
	s3 =	sadd.s32 s4, s20  }
0x14: {  	s7 =	simm.s32 $0x0;
	s21 =	sshll.u32 s5, $0x1;
	s5 =	sadd.s32 s22, s3  }
0x15: {  	[timem:s7], [sflag:s23] =	dma.local [hbm:s5], s21  }
0x16: {  	_ =	swait.ge [sflag:s23], s21  }
0x17: {  	s4 =	ssub.s32 $0x0, s21;
	[sflag:s23] =	ssyncset.done $0x0  }
0x18: {  	[sflag:s23] =	ssyncadd.s32 s4;
	_ =	sdelay $0x1  }
0x19: {  	s24 =	simm.s32 $0x1B8B  }
0x1a: {  	_ =	swait.ge [sflag:s24], $0x1  }
0x1b: {  	[sflag:s24] =	ssyncset.done $0x0  }
0x1c: {  	s26 =	simm.s32 $0x1B8E;
	s25 =	sld [smem:$0x3FFE];
	[sflag:s24] =	ssyncadd.s32 $0xFFFFFFFF  }
0x1d: {  	s27 =	simm.s32 $execute0_lowered;
	[smem:$0x3FD2] =	sst s26  }
0x1e: {  	s5 =	sshll.u32 s27, $0x1;
	_ =	strace $0x80000049;
	[dreg:$0x1] =	wrdreg $0xFFFFFFFF  }
0x1f: {  	s28 =	simm.s32 $_size_execute0_lowered;
	s3 =	sadd.s32 s3, s5;
	[dreg:$0x0] =	wrdreg $0x0  }
0x20: {  	s5 =	sshll.u32 s28, $0x1;
	[dreg:$0x2] =	wrdreg s3  }
0x21: {  	[dreg:$0x3] =	wrdreg s5  }
0x22: {  	[dreg:$0x4] =	wrdreg $0xC0  }
0x23: {  	_ =	task [dreg:s7], $0x5FFFF  }
0x24: {  	[dreg:$0x1] =	wrdreg $0xFFFFFFFF  }
0x25: {  	[dreg:$0x0] =	wrdreg $0x60  }
0x26: {  	[dreg:$0x2] =	wrdreg s25  }
0x27: {  	[dreg:$0x3] =	wrdreg s2  }
0x28: {  	[dreg:$0x4] =	wrdreg $0x9  }
0x29: {  	_ =	task.clear_ibuf [dreg:s7], $0x5FFFF;
	_ =	strace $0x90000049  }
0x2a: {  	s29 =	simm.s32 $0x9;
	_ =	strace $0x8000004B  }
0x2b: {  	_ =	swait.ge [sflag:s29], $0x1  }
0x2c: {  	[sflag:s29] =	ssyncadd.s32 $0xFFFFFFFF  }
0x2d: {  	_ =	strace $0x9000004B  }
0x2e: {  	_ =	sfence  }
0x2f: {  	s30 =	sld [smem:$0x0];
	_ =	sdelay $0x2  }
0x30: {  	s31 =	sshll.u32 s1, $0xD;
	s1 =	sshrl.u32 s1, $0x2  }
0x31: {  	s3 =	sand.u32 $0x4000, s31;
	s1 =	sadd.s32 s1, s30  }
0x32: {  	s0 =	sor.u32 s3, s0;
	s1 =	sshll.u32 s1, $0x11  }
0x33: {  	s0 =	sor.u32 s1, s0  }
0x34: {  	s0 =	sadd.s32 $0x8F2B, s0  }
0x35: {  	[sflag:s0] =	ssyncadd.remote.s32 $0x1  }
0x36: {  	_ =	sfence.sel $0xFFFF  }
0x37: {  	[dreg:$0x0] =	wrdreg $0xFFFFFFFF;
	(pc) =	sbr.abs _section_cstart, $3  }
0x38: {  	[dreg:$0x1] =	wrdreg $0xFFFFFFFF  }
0x39: {  	_ =	task.clear_ibuf [dreg:s7], $0x2FFFF;
	_ =	strace $0x9FFFFFFF  }
0x3a: {  	(tm) =	ssettm $0x7FFFFFFF  }
0x3b: {  	_ =	shalt  }
tec
execute0_lowered:
.L_overlay_start_1:
0x0: {  	(tag) =	ssettag $0x1  }
0x1: {  	s0 =	srdreg.scid  }
0x2: {  	s1 =	sshll.u32 s0, $0x4  }
0x3: {  	s0 =	stileid.u32;
	s1 =	sand.u32 $0x10, s1  }
0x4: {  	s1 =	sor.u32 s0, s1  }
0x5: {  	s6 =	rddreg [dreg:$0x0];
	s4 =	simm.s32 $0x1;
	s2 =	sshll.u32 s1, $0x7  }
0x6: {  	s7 =	simm.s32 $0x2;
	s12 =	simm.s32 $0x0;
	s1 =	ssub.s32 $0x1000, s2  }
0x7: {  	s8 =	simm.s32 $0x8000;
	s13 =	simm.s32 $0x0;
	s3 =	sand.u32 $0xF80, s1  }
0x8: {  	s9 =	simm.s32 $0x0;
	s5 =	sshrl.u32 s1, $0xC;
	p0 =	sne.s32 s3, $0x0  }
.Ltmp0:
0x9: {  	s1 =	rddreg [dreg:$0x2];
	s4 =	simm.s32 @!p0 $0x0;
	(pc) =	sbr.rel .LBB1_1-.Ltmp0, $4  }
0xa: {  	s11 =	simm.s32 $0x0;
	s3 =	rddreg [dreg:$0x1];
	s5 =	sadd.s32 s4, s5  }
0xb: {  	_ =	strace $0x8000004A;
	s4 =	simm.s32 $0x1;
	s5 =	smul.u32 $0x32, s5  }
0xc: {  	s6 =	sadd.s32 $0xC00, s6;
	s10 =	smov.u32 s2;
	[sflag:s4] =	ssyncpa.u1 $0x0  }
0xd: {  	p0 =	por $0x0, $0x0;
	[sflag:s7] =	ssyncpa.u1 $0x0;
	s7 =	sor.u32 $0x1, s5  }
.LBB1_4:
0xe: {  	s16 =	sshll.u32 s13, $0x3;
	s17 =	sand.u32 $0x78, s13  }
0xf: {  	s30 =	sand.u32 $0x7E00, s13;
	s12 =	sshll.u32 s12, $0xF;
	s16 =	sand.u32 $0xC00, s16  }
0x10: {  	[tilespmem:s15+$0x810 ss:$0x81] =	vst.msk $0xffff, v2;
	s31 =	sand.u32 $0x7, s13;
	s16 =	sor.u32 s17, s16;
	s17 =	sadd.s32 s3, s30  }
0x11: {  	[tilespmem:s15+$0x1020 ss:$0x81] =	vst.msk $0xffff, v0;
	s13 =	sshll.u32 s31, $0x12;
	s12 =	sadd.s32 s12, s17;
	s16 =	sshrl.u32 s16, $0x3  }
0x12: {  	[tilespmem:s15+$0x0 ss:$0x81] =	vst.msk $0xffff, v1;
	s13 =	sor.u32 $0x400, s13;
	s12 =	sadd.s32 s16, s12  }
0x13: {  	[hbm4b:s12+s13] =	stream.strided.scatter [tilespmem:s14], [sflag:$0x2], $0x2000, s8, s13, $0x20;
	[tilespmem:$0x8080] =	vst v63  }
.LBB1_5:
0x14: {  	s14 =	sadd.s32 $0x1, s9  }
0x15: {  	s12 =	sadd.s32 $0x1000, s10;
	s16 =	smov.u32 s10;
	p2 =	sgt.s32 s14, $0x31  }
0x16: {  	s16 =	smov.u32 @p2 s12  }
0x17: {  	s14 =	simm.s32 @p2 $0x0;
	p2 =	sgt.s32 s16, $0xFFF  }
0x18: {  	s16 =	smov.u32 @p2 s2;
	p2 =	sne.s32 s11, s7  }
.Ltmp1:
0x19: {  	p1 =	slt.u32 s11, $0x2;
	(pc) =	sbr.rel @!p2 .LBB1_6-.Ltmp1, $4  }
0x1a: {  	s15 =	simm.s32 @!p1 $0x2  }
0x1b: {  	s13 =	smov.u32 s10;
	p0 =	por !p0, !p0;
	_ =	swait.ge @!p1 [sflag:s15], $0x2000  }
0x1c: {  	s12 =	smov.u32 s9;
	[sflag:s15] =	ssyncset.done @!p1 $0x0;
	s9 =	smov.u32 s14  }
0x1d: {  	s11 =	sadd.s32 $0x1, s11;
	[sflag:s15] =	ssyncadd.s32 @!p1 $0xFFFFE000;
	s10 =	smov.u32 s16  }
.LBB1_1:
0x1e: {  	p1 =	sge.u32 s11, s5  }
0x1f: {  	s14 =	sand.u32 @!p1 $0x1FFFFFF, s9  }
0x20: {  	s15 =	smulhi.u32 @!p1 $0x4924925, s14;
	_ =	sdelay $0x1  }
0x21: {  	s15 =	smul.u32 @!p1 $0x38, s15  }
0x22: {  	s16 =	sxor.u32 @!p1 $0xFFFFFFFF, s11;
	s17 =	smul.u32 @!p1 $0x380, s10  }
0x23: {  	s31 =	sadd.s32 $0xFFFFFFFF, s11;
	s16 =	sshll.u32 @!p1 s16, $0xD;
	s14 =	ssub.s32 @!p1 s14, s15  }
0x24: {  	s15 =	sand.u32 @!p1 $0x2000, s16;
	s16 =	sadd.s32 @!p1 s6, s17;
	s14 =	sshll.u32 @!p1 s14, $0x4  }
0x25: {  	s17 =	simm.s32 @!p1 $0x1C00;
	s14 =	sadd.s32 @!p1 s14, s16;
	s16 =	simm.s32 @!p1 $0x40  }
0x26: {  	[tilespmem:s15], [sflag:$0x1] =	stream.strided.gather @!p1 [hbm4b:s14+s16], $0x2000, s17, s16, $0x38;
	[tilespmem:$0x8080] =	vst v63  }
0x27: {  	p1 =	sge.u32 s31, s5  }
.Ltmp2:
0x28: {  	_ = 	snop;
	(pc) =	sbr.rel @p1 .LBB1_5-.Ltmp2, $1  }
0x29: {  	_ =	sdelay $0x3  }
0x2a: {  	s14 =	simm.s32 $0x1  }
0x2b: {  	_ =	swait.ge [sflag:s4], $0x2000;
	s14 =	simm.s32 @!p0 $0x0  }
0x2c: {  	[sflag:s4] =	ssyncset.done $0x0;
	s15 =	sshll.u32 s14, $0xD  }
0x2d: {  	[sflag:s4] =	ssyncadd.s32 $0xFFFFE000;
	s18 =	sor.u32 $0x20, s15  }
0x2e: {  	s14 =	smul.u32 $0x8100, s14;
	v3 =	vld [tilespmem:s18+$0x10]  }
0x2f: {  	s30 =	sand.u32 $0x1, s11;
	v2 =	vld [tilespmem:s18+$0xFFFFFFF0]  }
0x30: {  	s15 =	smul.u32 $0x8100, s30;
	s14 =	sshrl.u32 s14, $0x2;
	v0 =	vld [tilespmem:s18+$0x0]  }
0x31: {  	v1 =	vld [tilespmem:s18+$0xFFFFFFE0];
	s16 =	sor.u32 $0x4000, s14  }
0x32: {  	s31 =	sshrl.u32 s15, $0x2;
	s15 =	sadd.s32 $0x0, s16  }
0x33: {  	s17 =	simm.s32 $0x4;
	s18 =	sadd.s32 $0x40, s18;
	s14 =	sor.u32 $0x4000, s31;
	[tilespmem:s15+$0x1830 ss:$0x81] =	vst.msk $0xffff, v3  }
.LBB1_3:
0x34: {  	v3 =	vld [tilespmem:s18+$0x10];
	p1 =	sne.s32 s17, $0x1FC;
	[tilespmem:s15+$0x810 ss:$0x81] =	vst.msk $0xffff, v2;
	s19 =	smov.u32 s17;
	s17 =	sadd.s32 $0x4, s17  }
.Ltmp3:
0x35: {  	v2 =	vld [tilespmem:s18+$0xFFFFFFF0];
	[tilespmem:s15+$0x1020 ss:$0x81] =	vst.msk $0xffff, v0;
	(pc) =	sbr.rel @p1 .LBB1_3-.Ltmp3, $4  }
0x36: {  	v0 =	vld [tilespmem:s18+$0x0];
	[tilespmem:s15+$0x0 ss:$0x81] =	vst.msk $0xffff, v1  }
0x37: {  	s15 =	sshra.s32 s19, $0x2;
	v1 =	vld [tilespmem:s18+$0xFFFFFFE0]  }
0x38: {  	s15 =	sadd.s32 s15, s16  }
0x39: {  	s18 =	sadd.s32 $0x40, s18;
	[tilespmem:s15+$0x1830 ss:$0x81] =	vst.msk $0xffff, v3  }
.Ltmp4:
0x3a: {  	_ = 	snop;
	(pc) =	sbr.rel .LBB1_4-.Ltmp4, $1  }
0x3b: {  	_ =	sdelay $0x3  }
.LBB1_6:
0x3c: {  	_ =	sfence.sel $0x180000  }
0x3d: {  	s2 =	simm.s32 $0x1;
	[bflag:$0x0] =	sbarrier.arrive $0xFFFF  }
0x3e: {  	s31 =	simm.s32 $0x2;
	[sflag:s2] =	ssyncpa.u1 $0x1  }
0x3f: {  	[sflag:s31] =	ssyncpa.u1 $0x1  }
0x40: {  	p0 =	sne.s32 s0, $0x0;
	_ =	strace $0x9000004A  }
0x41: {  	s0 =	sadd.s32 @!p0 $0x100000, s1;
	[bflag:$0x2] =	sbarrier.arrive $0xFFFF  }
0x42: {  	[sflag:s0] =	ssyncadd.tile.s32 @!p0 $0x1;
	_ =	shalt  }
.Lfunc_end1:
_tile_overlayer_lowered:
.L_overlay_start_2:
0x43: {  	(tag) =	ssettag $0x2  }
0x44: {  	s0 =	rddreg [dreg:$0x0];
	s2 =	stileid.u32  }
0x45: {  	s1 =	rddreg [dreg:$0x1];
	p0 =	sne.s32 s2, $0x0  }
0x46: {  	s3 =	rddreg [dreg:$0x2];
	[bflag:$0x3] =	sbarrier.arrive $0xFFFF;
	s2 =	simm.s32 @!p0 $0x1C01  }
0x47: {  	[timem:s3], [sflag:s2] =	dma.local @!p0 [hbm:s0], s1  }
0x48: {  	s0 =	simm.s32 @!p0 $0x1  }
0x49: {  	_ =	swait.ge @!p0 [sflag:s0], s1  }
0x4a: {  	s1 =	ssub.s32 @!p0 $0x0, s1;
	[sflag:s0] =	ssyncset.done @!p0 $0x0  }
0x4b: {  	[sflag:s0] =	ssyncadd.s32 @!p0 s1  }
0x4c: {  	[bflag:$0x3] =	sbarrier.arrive $0xFFFF  }
0x4d: {  	_ =	shalt  }

</sc_bundles>
